<compile_context>
chip_gen: v7x
topology: tpu7x:2x2x1
jax: 0.10.2.dev20260603
libtpu: 0.0.44.dev20260713+nightly
codegen_flags: <defaults>
</compile_context>

<pallas_src>
import functools

import numpy as np
import jax
import jax.numpy as jnp
from jax import lax
from jax.experimental import pallas as pl
from jax.experimental.pallas import tpu as pltpu
from jax.experimental.pallas import tpu_sc as plsc

_RADIUS = 0.2
_NSAMPLE = 32
_R2 = np.float32(_RADIUS * _RADIUS)


def _ball_query_idx(xyz, new_xyz):
    B, N, _ = xyz.shape
    d2 = (jnp.sum(new_xyz * new_xyz, axis=-1)[:, :, None]
          + jnp.sum(xyz * xyz, axis=-1)[:, None, :]
          - 2.0 * jnp.einsum('bpd,bnd->bpn', new_xyz, xyz))
    mask = d2 < (_RADIUS * _RADIUS)
    ar = jnp.arange(N, dtype=jnp.int32)
    keyv = jnp.where(mask, ar[None, None, :], jnp.int32(N))
    neg_top, _ = jax.lax.top_k(-keyv, _NSAMPLE)
    idx_sorted = -neg_top
    cnt = jnp.minimum(jnp.sum(mask, axis=-1), _NSAMPLE)
    first = idx_sorted[..., :1]
    slot = jnp.arange(_NSAMPLE, dtype=jnp.int32)
    idx = jnp.where(slot[None, None, :] < cnt[..., None], idx_sorted, first)
    idx = jnp.where(cnt[..., None] > 0, idx, 0)
    return idx.astype(jnp.int32)


_PB = 512


def _ball_query_body(q_ref, xt_ref, f_ref, x_ref, o_ref, t_ref,
                     wp_ref, wc_ref, tr_ref, *, N):
    b = pl.program_id(0)
    NH_ = N // 16

    @pl.when((b == 0) & (pl.program_id(1) == 0))
    def _build():
        n_i = lax.broadcasted_iota(jnp.int32, (N, NH_), 0)
        h_i = lax.broadcasted_iota(jnp.int32, (N, NH_), 1)
        blk_ = (n_i // 16) == h_i
        wp_ref[...] = jnp.where(
            blk_, (1 << (n_i % 16)).astype(jnp.float32), 0.0
        ).astype(jnp.bfloat16)
        wc_ref[...] = blk_.astype(jnp.bfloat16)
        a_i = lax.broadcasted_iota(jnp.int32, (NH_, NH_), 0)
        b_i = lax.broadcasted_iota(jnp.int32, (NH_, NH_), 1)
        tr_ref[...] = (a_i < b_i).astype(jnp.bfloat16)
    def rne16(v):
        u = lax.bitcast_convert_type(v, jnp.uint32)
        return u + jnp.uint32(0x7FFF) + ((u >> jnp.uint32(16)) & jnp.uint32(1))

    fb = f_ref[0]
    xb = x_ref[0]
    nb, cc = fb.shape
    lo = rne16(fb) >> jnp.uint32(16)
    xhi = rne16(xb) & jnp.uint32(0xFFFF0000)
    hi = jnp.concatenate(
        [xhi, jnp.zeros((nb, cc - 3), jnp.uint32)], axis=1)
    t_ref[0] = lax.bitcast_convert_type(lo | hi, jnp.int32)
    q = q_ref[0]
    xt = xt_ref[0]
    NH = N // 16

    q0, q1, q2 = q[:, 0:1], q[:, 1:2], q[:, 2:3]
    x0, x1, x2 = xt[0:1, :], xt[1:2, :], xt[2:3, :]
    sq = (q0 * q0 + q1 * q1) + q2 * q2
    sx = (x0 * x0 + x1 * x1) + x2 * x2
    qx = lax.dot_general(q.astype(jnp.bfloat16), xt.astype(jnp.bfloat16),
                         (((1,), (0,)), ((), ())),
                         preferred_element_type=jnp.float32)
    d2 = (sq + sx) - 2.0 * qx
    mb = (d2 < _R2).astype(jnp.bfloat16)

    dn = (((1,), (0,)), ((), ()))
    pk = lax.dot_general(mb, wp_ref[...], dn,
                         preferred_element_type=jnp.float32)
    cn = lax.dot_general(mb, wc_ref[...], dn,
                         preferred_element_type=jnp.float32)

    ce = lax.dot_general(cn.astype(jnp.bfloat16), tr_ref[...], dn,
                         preferred_element_type=jnp.float32)
    ci = ce + cn
    cnt = ci[:, NH - 1:NH]

    hv = lax.broadcasted_iota(jnp.int32, (1, NH), 1).astype(jnp.float32)
    cols = []
    for s in range(_NSAMPLE):
        sf = jnp.float32(s)
        onehot = jnp.where((ce <= sf) & (ci > sf), 1.0, 0.0)
        h_s = jnp.sum(onehot * hv, axis=1, keepdims=True)
        c_at = jnp.sum(onehot * ce, axis=1, keepdims=True)
        v_at = jnp.sum(onehot * pk, axis=1, keepdims=True)
        cols.append((h_s, c_at, v_at))
    h_s = jnp.concatenate([c[0] for c in cols], axis=1)
    c_at = jnp.concatenate([c[1] for c in cols], axis=1)
    v_at = jnp.concatenate([c[2] for c in cols], axis=1)
    j_s = lax.broadcasted_iota(jnp.int32, (1, _NSAMPLE), 1).astype(jnp.float32) - c_at

    u = v_at
    pp = jnp.zeros_like(v_at)
    bitpos = jnp.zeros_like(v_at)
    for _ in range(16):
        un = jnp.floor(u * 0.5)
        pp = pp + (u - 2.0 * un)
        bitpos = bitpos + jnp.where(pp <= j_s, 1.0, 0.0)
        u = un
    idxf = h_s * 16.0 + bitpos

    slot = lax.broadcasted_iota(jnp.int32, (1, _NSAMPLE), 1).astype(jnp.float32)
    idxf = jnp.where(slot < cnt, idxf, idxf[:, 0:1])
    idxf = jnp.where(cnt > 0.0, idxf, 0.0)
    o_ref[0] = idxf.astype(jnp.int32) + b * N


def _ball_query_pallas(xyz, new_xyz, features, D):
    B, N, _ = xyz.shape
    P = new_xyz.shape[1]
    C = features.shape[2]
    NB = N // (P // _PB)
    xt = jnp.transpose(xyz, (0, 2, 1))
    body = functools.partial(_ball_query_body, N=N)
    return pl.pallas_call(
        body,
        grid=(B, P // _PB),
        in_specs=[
            pl.BlockSpec((1, _PB, 3), lambda b, i: (b, i, 0)),
            pl.BlockSpec((1, 3, N), lambda b, i: (b, 0, 0)),
            pl.BlockSpec((1, NB, C), lambda b, i: (b, i, 0)),
            pl.BlockSpec((1, NB, 3), lambda b, i: (b, i, 0)),
        ],
        out_specs=[
            pl.BlockSpec((1, _PB, _NSAMPLE), lambda b, i: (b, i, 0)),
            pl.BlockSpec((1, NB, D), lambda b, i: (b, i, 0)),
        ],
        out_shape=[
            jax.ShapeDtypeStruct((B, P, _NSAMPLE), jnp.int32),
            jax.ShapeDtypeStruct((B, N, D), jnp.int32),
        ],
        scratch_shapes=[
            pltpu.VMEM((N, N // 16), jnp.bfloat16),
            pltpu.VMEM((N, N // 16), jnp.bfloat16),
            pltpu.VMEM((N // 16, N // 16), jnp.bfloat16),
        ],
    )(new_xyz, xt, features, xyz)


def _sc_gather(table, flat_idx):
    R, D = table.shape
    M = flat_idx.shape[0]
    W = 128
    mesh = plsc.VectorSubcoreMesh(core_axis_name="c", subcore_axis_name="s")
    idx2 = flat_idx.reshape(1, M)

    @functools.partial(
        pl.kernel,
        out_type=jax.ShapeDtypeStruct((M, D), table.dtype),
        mesh=mesh,
        compiler_params=pltpu.CompilerParams(use_tc_tiling_on_sc=False),
    )
    def k(tab_hbm, i_hbm, o_hbm):
        def body(i_vmem, o_vmem):
            pltpu.sync_copy(tab_hbm.at[i_vmem.at[0]], o_vmem)

        pltpu.emit_pipeline(
            body,
            grid=(M // W,),
            in_specs=[pl.BlockSpec((1, W), lambda i: (0, i))],
            out_specs=[pl.BlockSpec((W, D), lambda i: (i, 0))],
            core_axis_name=("c", "s"),
            dimension_semantics=(pltpu.PARALLEL,),
        )(i_hbm, o_hbm)

    return k(table, idx2)


def _finalize_body(g_ref, q_ref, o_ref, e_ref, *, C):
    pb = q_ref.shape[2]
    mb = pb * _NSAMPLE

    @pl.when((pl.program_id(0) == 0) & (pl.program_id(1) == 0))
    def _build():
        p_i = lax.broadcasted_iota(jnp.int32, (pb, mb), 0)
        m_i = lax.broadcasted_iota(jnp.int32, (pb, mb), 1)
        e_ref[...] = (m_i // _NSAMPLE == p_i).astype(jnp.bfloat16)

    g = g_ref[0]
    t = jnp.swapaxes(g, 0, 1)
    feat = lax.bitcast_convert_type(t << jnp.int32(16), jnp.float32)
    xyzc = lax.bitcast_convert_type(
        t[0:3] & jnp.int32(-65536), jnp.float32)
    q = q_ref[0]
    qrep = lax.dot_general(q.astype(jnp.bfloat16), e_ref[...],
                           (((1,), (0,)), ((), ())),
                           preferred_element_type=jnp.float32)
    o_ref[0, 0:3] = xyzc - qrep
    o_ref[0, 3:3 + C] = feat


def _finalize(gathered, new_xyz_t, C):
    B, _, P = new_xyz_t.shape
    D = gathered.shape[-1]
    Pb = 128
    Mb = Pb * _NSAMPLE
    body = functools.partial(_finalize_body, C=C)
    out = pl.pallas_call(
        body,
        grid=(B, (P * _NSAMPLE) // Mb),
        in_specs=[
            pl.BlockSpec((1, Mb, D), lambda b, i: (b, i, 0)),
            pl.BlockSpec((1, 3, Pb), lambda b, i: (b, 0, i)),
        ],
        out_specs=pl.BlockSpec((1, 3 + C, Mb), lambda b, i: (b, 0, i)),
        out_shape=jax.ShapeDtypeStruct((B, 3 + C, P * _NSAMPLE), jnp.float32),
        scratch_shapes=[pltpu.VMEM((Pb, Mb), jnp.bfloat16)],
    )(gathered, new_xyz_t)
    return out


def kernel(xyz, new_xyz, features):
    B, N, _ = xyz.shape
    P = new_xyz.shape[1]
    C = features.shape[2]

    D = C
    flat_idx, table = _ball_query_pallas(xyz, new_xyz, features, D)
    gathered = _sc_gather(table.reshape(B * N, D), flat_idx.reshape(-1))
    new_xyz_t = jnp.transpose(new_xyz, (0, 2, 1))
    out = _finalize(gathered.reshape(B, P * _NSAMPLE, D), new_xyz_t, C)
    return out.reshape(B, 3 + C, P, _NSAMPLE)

# --- scband reference (transcript-rebuilt; emitter-appended) ---
"""Pipeline reference for scband-query-and-group-22505628631249 (READ-ONLY COPY).

The authoritative reference and input builder live on the scoring server;
editing this copy changes nothing except your own understanding.
"""

import jax, jax.numpy as jnp
import numpy as np

RADIUS = 0.2
NSAMPLE = 32


def setup_inputs(seed: int = 0) -> dict:
    key = jax.random.key(seed)
    k1, k2, k3 = jax.random.split(key, 3)
    B, N, P, C = 4, 4096, 1024, 64
    xyz = jax.random.uniform(k1, (B, N, 3), dtype=jnp.float32)
    new_xyz = jax.random.uniform(k2, (B, P, 3), dtype=jnp.float32)
    features = jax.random.normal(k3, (B, N, C), dtype=jnp.float32)
    return {"xyz": xyz, "new_xyz": new_xyz, "features": features}


def _ball_query(radius, nsample, xyz, new_xyz):
    # xyz: (B, N, 3), new_xyz: (B, P, 3) -> idx: (B, P, nsample) int32
    B, N, _ = xyz.shape
    d2 = (jnp.sum(new_xyz * new_xyz, axis=-1)[:, :, None]
          + jnp.sum(xyz * xyz, axis=-1)[:, None, :]
          - 2.0 * jnp.einsum('bpd,bnd->bpn', new_xyz, xyz))  # (B, P, N)
    mask = d2 < (radius * radius)
    ar = jnp.arange(N, dtype=jnp.int32)
    # key = point index if inside ball, else N (sentinel); take the nsample smallest
    keyv = jnp.where(mask, ar[None, None, :], jnp.int32(N))
    neg_top, _ = jax.lax.top_k(-keyv, nsample)
    idx_sorted = -neg_top  # ascending first-found indices, padded with N
    cnt = jnp.minimum(jnp.sum(mask, axis=-1), nsample)  # (B, P)
    first = idx_sorted[..., :1]
    slot = jnp.arange(nsample, dtype=jnp.int32)
    # CUDA kernel semantics: pad remaining slots with the first found index;
    # if no point is within radius, indices stay 0.
    idx = jnp.where(slot[None, None, :] < cnt[..., None], idx_sorted, first)
    idx = jnp.where(cnt[..., None] > 0, idx, 0)
    return idx.astype(jnp.int32)


def reference(xyz, new_xyz, features):
    # QueryAndGroup.forward
    idx = jax.lax.stop_gradient(_ball_query(RADIUS, NSAMPLE, xyz, new_xyz))  # (B, P, S)
    B = xyz.shape[0]
    bidx = jnp.arange(B)[:, None, None]
    # grouping_operation(xyz^T, idx) -> (B, 3, P, S)
    grouped_xyz = jnp.transpose(xyz[bidx, idx], (0, 3, 1, 2))
    # subtract centroid coords
    grouped_xyz = grouped_xyz - jnp.transpose(new_xyz, (0, 2, 1))[..., None]
    # grouping_operation(features^T, idx) -> (B, C, P, S)
    grouped_features = jnp.transpose(features[bidx, idx], (0, 3, 1, 2))
    new_features = jnp.concatenate([grouped_xyz, grouped_features], axis=1)  # (B, 3+C, P, S)
    return new_features

if __name__ == "__main__":
    import jax
    _d = setup_inputs()
    print(jax.jit(kernel)(*tuple(_d.values())))

</pallas_src>

<mosaic_0001>
#map = affine_map<(d0, d1) -> (0, 0)>
module attributes {stable_mosaic.version = 14 : i64} {
  func.func @k(%arg0: i32, %arg1: i32, %arg2: memref<16384x64xi32, #tpu.memory_space<hbm>>, %arg3: memref<1x131072xi32, #tpu.memory_space<hbm>>, %arg4: memref<131072x64xi32, #tpu.memory_space<hbm>>) attributes {dimension_semantics = [#tpu.dimension_semantics<core_parallel>, #tpu.dimension_semantics<subcore_parallel>], iteration_bounds = array<i64: 2, 16>, scalar_prefetch = 0 : i64, scratch_operands = 0 : i64, tpu.core_type = #tpu.core_type<sc_vector_subcore>, window_params = [{transform_indices = #map}, {transform_indices = #map}, {transform_indices = #map}]} {
    %mul3A = arith.constant 1 : i32
    %mul3A_0 = arith.muli %arg1, %mul3A : i32
    %add3A = arith.constant 0 : i32
    %add3A_1 = arith.addi %add3A, %mul3A_0 : i32
    %mul3A_2 = arith.constant 16 : i32
    %mul3A_3 = arith.muli %arg0, %mul3A_2 : i32
    %add3A_4 = arith.addi %add3A_1, %mul3A_3 : i32
    %mul3A_5 = arith.constant 32 : i32
    %mul3A_6 = arith.muli %add3A_4, %mul3A_5 : i32
    "tpu.region"() ({
      %run_scoped3A = memref.alloca() : memref<2x1x128xi32, #tpu.memory_space<vmem>>
      %run_scoped3A_7 = tpu.sem_alloc : memref<2x!tpu.dma_semaphore, #tpu.memory_space<semaphore_mem>>
      %run_scoped3A_8 = memref.alloca() : memref<2x128x64xi32, #tpu.memory_space<vmem>>
      %run_scoped3A_9 = tpu.sem_alloc : memref<2x!tpu.dma_semaphore, #tpu.memory_space<semaphore_mem>>
      %add3A_10 = arith.constant 0 : i32
      %add3A_11 = arith.addi %add3A_10, %mul3A_6 : i32
      %select_n3A = arith.constant true
      %select_n3A_12 = arith.constant 0 : i32
      %select_n3A_13 = arith.constant -1 : i32
      %select_n3A_14 = arith.select %select_n3A, %select_n3A_13, %select_n3A_12 : i32
      %eq3A = arith.constant -1 : i32
      %eq3A_15 = arith.cmpi eq, %select_n3A_14, %eq3A : i32
      %select_n3A_16 = arith.constant 31 : i32
      %select_n3A_17 = arith.select %eq3A_15, %select_n3A_16, %select_n3A_14 : i32
      %add3A_18 = arith.addi %select_n3A_17, %mul3A_6 : i32
      %select_n3A_19 = arith.constant true
      %select_n3A_20 = arith.constant 0 : i32
      %select_n3A_21 = arith.constant 1 : i32
      %select_n3A_22 = arith.select %select_n3A_19, %select_n3A_21, %select_n3A_20 : i32
      %eq3A_23 = arith.constant 32 : i32
      %eq3A_24 = arith.cmpi eq, %select_n3A_22, %eq3A_23 : i32
      %select_n3A_25 = arith.constant 0 : i32
      %select_n3A_26 = arith.select %eq3A_24, %select_n3A_25, %select_n3A_22 : i32
      %add3A_27 = arith.addi %select_n3A_26, %mul3A_6 : i32
      %add3A_28 = arith.constant 1 : i32
      %add3A_29 = arith.addi %select_n3A_26, %add3A_28 : i32
      %select_n3A_30 = arith.constant true
      %select_n3A_31 = arith.select %select_n3A_30, %add3A_29, %select_n3A_26 : i32
      %eq3A_32 = arith.constant 32 : i32
      %eq3A_33 = arith.cmpi eq, %select_n3A_31, %eq3A_32 : i32
      %select_n3A_34 = arith.constant 0 : i32
      %select_n3A_35 = arith.select %eq3A_33, %select_n3A_34, %select_n3A_31 : i32
      %add3A_36 = arith.addi %select_n3A_35, %mul3A_6 : i32
      "tpu.trace_start"() <{level = 10 : i32, message = "ep_initialize_0"}> : () -> ()
      %rem3A = arith.constant 0 : i32
      %rem3A_37 = arith.constant 2 : i32
      %rem3A_38 = arith.remui %rem3A, %rem3A_37 : i32
      %mul3A_39 = arith.constant 128 : i32
      %mul3A_40 = arith.muli %mul3A_39, %add3A_11 : i32
      %dma_start3A = arith.constant 0 : i32
      %dma_start3A_41 = arith.constant 0 : i32
      %dma_start3A_42 = tpu.memref_slice %run_scoped3A[%rem3A_38, %dma_start3A, %dma_start3A_41] : memref<2x1x128xi32, #tpu.memory_space<vmem>> -> memref<1x1x128xi32, #tpu.memory_space<vmem>>
      %dma_start3A_43 = tpu.memref_squeeze %dma_start3A_42 : memref<1x1x128xi32, #tpu.memory_space<vmem>> -> memref<1x128xi32, #tpu.memory_space<vmem>>
      %dma_start3A_44 = arith.constant 0 : i32
      %dma_start3A_45 = tpu.memref_slice %arg3[%dma_start3A_44, %mul3A_40] : memref<1x131072xi32, #tpu.memory_space<hbm>> -> memref<1x128xi32, #tpu.memory_space<hbm>>
      %dma_start3A_46 = tpu.memref_slice %run_scoped3A_7[%rem3A_38] : memref<2x!tpu.dma_semaphore, #tpu.memory_space<semaphore_mem>> -> memref<1x!tpu.dma_semaphore, #tpu.memory_space<semaphore_mem>>
      %dma_start3A_47 = tpu.memref_squeeze %dma_start3A_46 : memref<1x!tpu.dma_semaphore, #tpu.memory_space<semaphore_mem>> -> memref<!tpu.dma_semaphore, #tpu.memory_space<semaphore_mem>>
      %dma_start3A_48 = arith.constant 0 : i32
      %dma_start3A_49 = arith.constant 0 : i32
      %dma_start3A_50 = tpu.memref_slice %run_scoped3A[%rem3A_38, %dma_start3A_48, %dma_start3A_49] : memref<2x1x128xi32, #tpu.memory_space<vmem>> -> memref<1x1x128xi32, #tpu.memory_space<vmem>>
      %dma_start3A_51 = tpu.memref_squeeze %dma_start3A_50 : memref<1x1x128xi32, #tpu.memory_space<vmem>> -> memref<1x128xi32, #tpu.memory_space<vmem>>
      %dma_start3A_52 = arith.constant 0 : i32
      %dma_start3A_53 = tpu.memref_slice %arg3[%dma_start3A_52, %mul3A_40] : memref<1x131072xi32, #tpu.memory_space<hbm>> -> memref<1x128xi32, #tpu.memory_space<hbm>>
      tpu.enqueue_dma source(%dma_start3A_53 : memref<1x128xi32, #tpu.memory_space<hbm>>) target(%dma_start3A_51 : memref<1x128xi32, #tpu.memory_space<vmem>>) target_semaphore(%dma_start3A_47 : memref<!tpu.dma_semaphore, #tpu.memory_space<semaphore_mem>>)
      %add3A_54 = arith.constant 0 : i32
      %add3A_55 = arith.constant 1 : i32
      %add3A_56 = arith.addi %add3A_54, %add3A_55 : i32
      %select_n3A_57 = arith.constant true
      %select_n3A_58 = arith.constant 0 : i32
      %select_n3A_59 = arith.select %select_n3A_57, %add3A_56, %select_n3A_58 : i32
      "tpu.trace_stop"() : () -> ()
      %scan3A = arith.constant 0 : i32
      %scan3A_60 = arith.constant 0 : i32
      %scan3A_61 = arith.constant 0 : i32
      %scan3A_62 = arith.constant 0 : i32
      %scan3A_63 = arith.constant 0 : i32
      %scan3A_64 = arith.constant 32 : i32
      %scan3A_65 = arith.addi %scan3A_63, %scan3A_64 : i32
      %scan3A_66 = arith.constant 1 : i32
      %scan3A_67:5 = scf.for %scan3A_121 = %scan3A_63 to %scan3A_65 step %scan3A_66 iter_args(%scan3A_122 = %select_n3A_59, %scan3A_123 = %scan3A, %scan3A_124 = %scan3A_60, %scan3A_125 = %scan3A_61, %scan3A_126 = %scan3A_62) -> (i32, i32, i32, i32, i32)  : i32 {
        %eq3A_127 = arith.constant 0 : i32
        %eq3A_128 = arith.cmpi eq, %scan3A_121, %eq3A_127 : i32
        %eq3A_129 = arith.constant 31 : i32
        %eq3A_130 = arith.cmpi eq, %scan3A_121, %eq3A_129 : i32
        %add3A_131 = arith.addi %scan3A_126, %mul3A_6 : i32
        %sub3A_132 = arith.constant 1 : i32
        %sub3A_133 = arith.subi %scan3A_126, %sub3A_132 : i32
        %select_n3A_134 = arith.constant true
        %select_n3A_135 = arith.select %select_n3A_134, %sub3A_133, %scan3A_126 : i32
        %eq3A_136 = arith.constant -1 : i32
        %eq3A_137 = arith.cmpi eq, %select_n3A_135, %eq3A_136 : i32
        %select_n3A_138 = arith.constant 31 : i32
        %select_n3A_139 = arith.select %eq3A_137, %select_n3A_138, %select_n3A_135 : i32
        %add3A_140 = arith.addi %select_n3A_139, %mul3A_6 : i32
        %add3A_141 = arith.constant 1 : i32
        %add3A_142 = arith.addi %scan3A_126, %add3A_141 : i32
        %select_n3A_143 = arith.constant true
        %select_n3A_144 = arith.select %select_n3A_143, %add3A_142, %scan3A_126 : i32
        %eq3A_145 = arith.constant 32 : i32
        %eq3A_146 = arith.cmpi eq, %select_n3A_144, %eq3A_145 : i32
        %select_n3A_147 = arith.constant 0 : i32
        %select_n3A_148 = arith.select %eq3A_146, %select_n3A_147, %select_n3A_144 : i32
        %add3A_149 = arith.addi %select_n3A_148, %mul3A_6 : i32
        %add3A_150 = arith.constant 1 : i32
        %add3A_151 = arith.addi %select_n3A_148, %add3A_150 : i32
        %select_n3A_152 = arith.constant true
        %select_n3A_153 = arith.select %select_n3A_152, %add3A_151, %select_n3A_148 : i32
        %eq3A_154 = arith.constant 32 : i32
        %eq3A_155 = arith.cmpi eq, %select_n3A_153, %eq3A_154 : i32
        %select_n3A_156 = arith.constant 0 : i32
        %select_n3A_157 = arith.select %eq3A_155, %select_n3A_156, %select_n3A_153 : i32
        %add3A_158 = arith.addi %select_n3A_157, %mul3A_6 : i32
        %ne3A = arith.cmpi ne, %add3A_131, %add3A_149 : i32
        %or3A = arith.constant false
        %or3A_159 = arith.ori %or3A, %ne3A : i1
        %ge3A = arith.constant 31 : i32
        %ge3A_160 = arith.cmpi sge, %scan3A_121, %ge3A : i32
        %not3A = arith.constant true
        %not3A_161 = arith.xori %ge3A_160, %not3A : i1
        %and3A = arith.andi %or3A_159, %not3A_161 : i1
        %convert_element_type3A = arith.extui %and3A : i1 to i32
        %cond3A = arith.constant 0 : i32
        %cond3A_162 = arith.cmpi ne, %convert_element_type3A, %cond3A : i32
        scf.if %cond3A_162 {
          "tpu.trace_start"() <{level = 10 : i32, message = "ep_copy_in"}> : () -> ()
          %rem3A_264 = arith.constant 2 : i32
          %rem3A_265 = arith.remui %scan3A_122, %rem3A_264 : i32
          %mul3A_266 = arith.constant 128 : i32
          %mul3A_267 = arith.muli %mul3A_266, %add3A_149 : i32
          %dma_start3A_268 = arith.constant 0 : i32
          %dma_start3A_269 = arith.constant 0 : i32
          %dma_start3A_270 = tpu.memref_slice %run_scoped3A[%rem3A_265, %dma_start3A_268, %dma_start3A_269] : memref<2x1x128xi32, #tpu.memory_space<vmem>> -> memref<1x1x128xi32, #tpu.memory_space<vmem>>
          %dma_start3A_271 = tpu.memref_squeeze %dma_start3A_270 : memref<1x1x128xi32, #tpu.memory_space<vmem>> -> memref<1x128xi32, #tpu.memory_space<vmem>>
          %dma_start3A_272 = arith.constant 0 : i32
          %dma_start3A_273 = tpu.memref_slice %arg3[%dma_start3A_272, %mul3A_267] : memref<1x131072xi32, #tpu.memory_space<hbm>> -> memref<1x128xi32, #tpu.memory_space<hbm>>
          %dma_start3A_274 = tpu.memref_slice %run_scoped3A_7[%rem3A_265] : memref<2x!tpu.dma_semaphore, #tpu.memory_space<semaphore_mem>> -> memref<1x!tpu.dma_semaphore, #tpu.memory_space<semaphore_mem>>
          %dma_start3A_275 = tpu.memref_squeeze %dma_start3A_274 : memref<1x!tpu.dma_semaphore, #tpu.memory_space<semaphore_mem>> -> memref<!tpu.dma_semaphore, #tpu.memory_space<semaphore_mem>>
          %dma_start3A_276 = arith.constant 0 : i32
          %dma_start3A_277 = arith.constant 0 : i32
          %dma_start3A_278 = tpu.memref_slice %run_scoped3A[%rem3A_265, %dma_start3A_276, %dma_start3A_277] : memref<2x1x128xi32, #tpu.memory_space<vmem>> -> memref<1x1x128xi32, #tpu.memory_space<vmem>>
          %dma_start3A_279 = tpu.memref_squeeze %dma_start3A_278 : memref<1x1x128xi32, #tpu.memory_space<vmem>> -> memref<1x128xi32, #tpu.memory_space<vmem>>
          %dma_start3A_280 = arith.constant 0 : i32
          %dma_start3A_281 = tpu.memref_slice %arg3[%dma_start3A_280, %mul3A_267] : memref<1x131072xi32, #tpu.memory_space<hbm>> -> memref<1x128xi32, #tpu.memory_space<hbm>>
          tpu.enqueue_dma source(%dma_start3A_281 : memref<1x128xi32, #tpu.memory_space<hbm>>) target(%dma_start3A_279 : memref<1x128xi32, #tpu.memory_space<vmem>>) target_semaphore(%dma_start3A_275 : memref<!tpu.dma_semaphore, #tpu.memory_space<semaphore_mem>>)
          "tpu.trace_stop"() : () -> ()
        } else {
        }
        %and3A_163 = arith.constant true
        %and3A_164 = arith.andi %and3A, %and3A_163 : i1
        %add3A_165 = arith.constant 1 : i32
        %add3A_166 = arith.addi %scan3A_122, %add3A_165 : i32
        %select_n3A_167 = arith.select %and3A_164, %add3A_166, %scan3A_122 : i32
        %ne3A_168 = arith.cmpi ne, %add3A_131, %add3A_149 : i32
        %or3A_169 = arith.constant false
        %or3A_170 = arith.ori %or3A_169, %ne3A_168 : i1
        %or3A_171 = arith.constant false
        %or3A_172 = arith.ori %or3A_170, %or3A_171 : i1
        %ge3A_173 = arith.constant 31 : i32
        %ge3A_174 = arith.cmpi sge, %scan3A_121, %ge3A_173 : i32
        %not3A_175 = arith.constant true
        %not3A_176 = arith.xori %ge3A_174, %not3A_175 : i1
        %and3A_177 = arith.andi %or3A_172, %not3A_176 : i1
        %ne3A_178 = arith.cmpi ne, %add3A_131, %add3A_140 : i32
        %or3A_179 = arith.constant false
        %or3A_180 = arith.ori %or3A_179, %ne3A_178 : i1
        %or3A_181 = arith.ori %or3A_180, %eq3A_128 : i1
        %convert_element_type3A_182 = arith.extui %or3A_181 : i1 to i32
        %cond3A_183 = arith.constant 0 : i32
        %cond3A_184 = arith.cmpi ne, %convert_element_type3A_182, %cond3A_183 : i32
        scf.if %cond3A_184 {
          "tpu.trace_start"() <{level = 10 : i32, message = "ep_wait_in"}> : () -> ()
          %mul3A_264 = arith.constant 128 : i32
          %mul3A_265 = arith.muli %mul3A_264, %add3A_131 : i32
          %rem3A_266 = arith.constant 2 : i32
          %rem3A_267 = arith.remui %scan3A_123, %rem3A_266 : i32
          %dma_wait3A_268 = arith.constant 0 : i32
          %dma_wait3A_269 = arith.constant 0 : i32
          %dma_wait3A_270 = tpu.memref_slice %run_scoped3A[%rem3A_267, %dma_wait3A_268, %dma_wait3A_269] : memref<2x1x128xi32, #tpu.memory_space<vmem>> -> memref<1x1x128xi32, #tpu.memory_space<vmem>>
          %dma_wait3A_271 = tpu.memref_squeeze %dma_wait3A_270 : memref<1x1x128xi32, #tpu.memory_space<vmem>> -> memref<1x128xi32, #tpu.memory_space<vmem>>
          %dma_wait3A_272 = arith.constant 0 : i32
          %dma_wait3A_273 = tpu.memref_slice %arg3[%dma_wait3A_272, %mul3A_265] : memref<1x131072xi32, #tpu.memory_space<hbm>> -> memref<1x128xi32, #tpu.memory_space<hbm>>
          %dma_wait3A_274 = tpu.memref_slice %run_scoped3A_7[%rem3A_267] : memref<2x!tpu.dma_semaphore, #tpu.memory_space<semaphore_mem>> -> memref<1x!tpu.dma_semaphore, #tpu.memory_space<semaphore_mem>>
          %dma_wait3A_275 = tpu.memref_squeeze %dma_wait3A_274 : memref<1x!tpu.dma_semaphore, #tpu.memory_space<semaphore_mem>> -> memref<!tpu.dma_semaphore, #tpu.memory_space<semaphore_mem>>
          %dma_wait3A_276 = arith.constant 0 : i32
          %dma_wait3A_277 = arith.constant 0 : i32
          %dma_wait3A_278 = tpu.memref_slice %run_scoped3A[%rem3A_267, %dma_wait3A_276, %dma_wait3A_277] : memref<2x1x128xi32, #tpu.memory_space<vmem>> -> memref<1x1x128xi32, #tpu.memory_space<vmem>>
          %dma_wait3A_279 = tpu.memref_squeeze %dma_wait3A_278 : memref<1x1x128xi32, #tpu.memory_space<vmem>> -> memref<1x128xi32, #tpu.memory_space<vmem>>
          %dma_wait3A_280 = arith.constant 0 : i32
          %dma_wait3A_281 = tpu.memref_slice %arg3[%dma_wait3A_280, %mul3A_265] : memref<1x131072xi32, #tpu.memory_space<hbm>> -> memref<1x128xi32, #tpu.memory_space<hbm>>
          tpu.wait_dma2 semaphore(%dma_wait3A_275 : memref<!tpu.dma_semaphore, #tpu.memory_space<semaphore_mem>>) src(%dma_wait3A_281 : memref<1x128xi32, #tpu.memory_space<hbm>>) dst(%dma_wait3A_279 : memref<1x128xi32, #tpu.memory_space<vmem>>)
          "tpu.trace_stop"() : () -> ()
        } else {
        }
        %ne3A_185 = arith.cmpi ne, %add3A_131, %add3A_140 : i32
        %or3A_186 = arith.constant false
        %or3A_187 = arith.ori %or3A_186, %ne3A_185 : i1
        %or3A_188 = arith.constant false
        %or3A_189 = arith.ori %or3A_187, %or3A_188 : i1
        %or3A_190 = arith.ori %or3A_189, %eq3A_128 : i1
        %convert_element_type3A_191 = arith.extui %or3A_190 : i1 to i32
        %cond3A_192 = arith.constant 0 : i32
        %cond3A_193 = arith.cmpi ne, %convert_element_type3A_191, %cond3A_192 : i32
        scf.if %cond3A_193 {
        } else {
        }
        %rem3A_194 = arith.constant 2 : i32
        %rem3A_195 = arith.remui %scan3A_123, %rem3A_194 : i32
        %rem3A_196 = arith.constant 2 : i32
        %rem3A_197 = arith.remui %scan3A_124, %rem3A_196 : i32
        %run_scoped3A_198 = arith.constant 0 : i32
        "tpu.trace_start"() <{level = 10 : i32, message = "ep_run_kernel"}> : () -> ()
        "tpu.region"() ({
          %run_scoped3A_264 = tpu.sem_alloc : memref<!tpu.dma_semaphore, #tpu.memory_space<semaphore_mem>>
          %dma_start3A_265 = arith.constant 0 : i32
          %dma_start3A_266 = arith.constant 0 : i32
          %dma_start3A_267 = tpu.memref_slice %run_scoped3A_8[%rem3A_197, %dma_start3A_265, %dma_start3A_266] : memref<2x128x64xi32, #tpu.memory_space<vmem>> -> memref<1x128x64xi32, #tpu.memory_space<vmem>>
          %dma_start3A_268 = tpu.memref_squeeze %dma_start3A_267 : memref<1x128x64xi32, #tpu.memory_space<vmem>> -> memref<128x64xi32, #tpu.memory_space<vmem>>
          %dma_start3A_269 = arith.constant 0 : i32
          %dma_start3A_270 = arith.constant 0 : i32
          %dma_start3A_271 = tpu.memref_slice %run_scoped3A[%rem3A_195, %dma_start3A_269, %dma_start3A_270] : memref<2x1x128xi32, #tpu.memory_space<vmem>> -> memref<1x1x128xi32, #tpu.memory_space<vmem>>
          %dma_start3A_272 = tpu.memref_squeeze %dma_start3A_271 : memref<1x1x128xi32, #tpu.memory_space<vmem>> -> memref<1x128xi32, #tpu.memory_space<vmem>>
          %dma_start3A_273 = arith.constant 0 : i32
          %dma_start3A_274 = tpu.memref_slice %dma_start3A_272[%run_scoped3A_198, %dma_start3A_273] : memref<1x128xi32, #tpu.memory_space<vmem>> -> memref<1x128xi32, #tpu.memory_space<vmem>>
          %dma_start3A_275 = tpu.memref_squeeze %dma_start3A_274 : memref<1x128xi32, #tpu.memory_space<vmem>> -> memref<128xi32, #tpu.memory_space<vmem>>
          %dma_start3A_276 = arith.constant 0 : i32
          %dma_start3A_277 = arith.constant 0 : i32
          %dma_start3A_278 = tpu.memref_slice %arg2[%dma_start3A_276, %dma_start3A_277] : memref<16384x64xi32, #tpu.memory_space<hbm>> -> memref<16384x64xi32, #tpu.memory_space<hbm>>
          tpu.enqueue_indirect_dma source(%dma_start3A_278 : memref<16384x64xi32, #tpu.memory_space<hbm>>) target(%dma_start3A_268 : memref<128x64xi32, #tpu.memory_space<vmem>>) offsets(%dma_start3A_275 : memref<128xi32, #tpu.memory_space<vmem>>) semaphore(%run_scoped3A_264 : memref<!tpu.dma_semaphore, #tpu.memory_space<semaphore_mem>>)
          %dma_wait3A_279 = arith.constant 0 : i32
          %dma_wait3A_280 = arith.constant 0 : i32
          %dma_wait3A_281 = tpu.memref_slice %run_scoped3A_8[%rem3A_197, %dma_wait3A_279, %dma_wait3A_280] : memref<2x128x64xi32, #tpu.memory_space<vmem>> -> memref<1x128x64xi32, #tpu.memory_space<vmem>>
          %dma_wait3A_282 = tpu.memref_squeeze %dma_wait3A_281 : memref<1x128x64xi32, #tpu.memory_space<vmem>> -> memref<128x64xi32, #tpu.memory_space<vmem>>
          %dma_wait3A_283 = arith.constant 0 : i32
          %dma_wait3A_284 = arith.constant 0 : i32
          %dma_wait3A_285 = tpu.memref_slice %run_scoped3A[%rem3A_195, %dma_wait3A_283, %dma_wait3A_284] : memref<2x1x128xi32, #tpu.memory_space<vmem>> -> memref<1x1x128xi32, #tpu.memory_space<vmem>>
          %dma_wait3A_286 = tpu.memref_squeeze %dma_wait3A_285 : memref<1x1x128xi32, #tpu.memory_space<vmem>> -> memref<1x128xi32, #tpu.memory_space<vmem>>
          %dma_wait3A_287 = arith.constant 0 : i32
          %dma_wait3A_288 = tpu.memref_slice %dma_wait3A_286[%run_scoped3A_198, %dma_wait3A_287] : memref<1x128xi32, #tpu.memory_space<vmem>> -> memref<1x128xi32, #tpu.memory_space<vmem>>
          %dma_wait3A_289 = tpu.memref_squeeze %dma_wait3A_288 : memref<1x128xi32, #tpu.memory_space<vmem>> -> memref<128xi32, #tpu.memory_space<vmem>>
          %dma_wait3A_290 = arith.constant 0 : i32
          %dma_wait3A_291 = arith.constant 0 : i32
          %dma_wait3A_292 = tpu.memref_slice %arg2[%dma_wait3A_290, %dma_wait3A_291] : memref<16384x64xi32, #tpu.memory_space<hbm>> -> memref<16384x64xi32, #tpu.memory_space<hbm>>
          tpu.wait_indirect_dma semaphore(%run_scoped3A_264 : memref<!tpu.dma_semaphore, #tpu.memory_space<semaphore_mem>>) src(%dma_wait3A_292 : memref<16384x64xi32, #tpu.memory_space<hbm>>) dst(%dma_wait3A_282 : memref<128x64xi32, #tpu.memory_space<vmem>>)
          tpu.yield
        }) : () -> ()
        "tpu.trace_stop"() : () -> ()
        %ne3A_199 = arith.cmpi ne, %add3A_131, %add3A_149 : i32
        %or3A_200 = arith.constant false
        %or3A_201 = arith.ori %or3A_200, %ne3A_199 : i1
        %or3A_202 = arith.ori %or3A_201, %eq3A_130 : i1
        %convert_element_type3A_203 = arith.extui %or3A_202 : i1 to i32
        %cond3A_204 = arith.constant 0 : i32
        %cond3A_205 = arith.cmpi ne, %convert_element_type3A_203, %cond3A_204 : i32
        scf.if %cond3A_205 {
        } else {
        }
        %and3A_206 = arith.constant false
        %and3A_207 = arith.andi %or3A_202, %and3A_206 : i1
        %ne3A_208 = arith.cmpi ne, %add3A_131, %add3A_149 : i32
        %or3A_209 = arith.constant false
        %or3A_210 = arith.ori %or3A_209, %ne3A_208 : i1
        %or3A_211 = arith.constant false
        %or3A_212 = arith.ori %or3A_210, %or3A_211 : i1
        %or3A_213 = arith.ori %or3A_212, %eq3A_130 : i1
        %convert_element_type3A_214 = arith.extui %or3A_213 : i1 to i32
        %cond3A_215 = arith.constant 0 : i32
        %cond3A_216 = arith.cmpi ne, %convert_element_type3A_214, %cond3A_215 : i32
        scf.if %cond3A_216 {
          "tpu.trace_start"() <{level = 10 : i32, message = "ep_copy_out"}> : () -> ()
          %rem3A_264 = arith.constant 2 : i32
          %rem3A_265 = arith.remui %scan3A_124, %rem3A_264 : i32
          %mul3A_266 = arith.constant 128 : i32
          %mul3A_267 = arith.muli %mul3A_266, %add3A_131 : i32
          %dma_start3A_268 = arith.constant 0 : i32
          %dma_start3A_269 = arith.constant 0 : i32
          %dma_start3A_270 = tpu.memref_slice %run_scoped3A_8[%rem3A_265, %dma_start3A_268, %dma_start3A_269] : memref<2x128x64xi32, #tpu.memory_space<vmem>> -> memref<1x128x64xi32, #tpu.memory_space<vmem>>
          %dma_start3A_271 = tpu.memref_squeeze %dma_start3A_270 : memref<1x128x64xi32, #tpu.memory_space<vmem>> -> memref<128x64xi32, #tpu.memory_space<vmem>>
          %dma_start3A_272 = arith.constant 0 : i32
          %dma_start3A_273 = tpu.memref_slice %arg4[%mul3A_267, %dma_start3A_272] : memref<131072x64xi32, #tpu.memory_space<hbm>> -> memref<128x64xi32, #tpu.memory_space<hbm>>
          %dma_start3A_274 = tpu.memref_slice %run_scoped3A_9[%rem3A_265] : memref<2x!tpu.dma_semaphore, #tpu.memory_space<semaphore_mem>> -> memref<1x!tpu.dma_semaphore, #tpu.memory_space<semaphore_mem>>
          %dma_start3A_275 = tpu.memref_squeeze %dma_start3A_274 : memref<1x!tpu.dma_semaphore, #tpu.memory_space<semaphore_mem>> -> memref<!tpu.dma_semaphore, #tpu.memory_space<semaphore_mem>>
          %dma_start3A_276 = arith.constant 0 : i32
          %dma_start3A_277 = tpu.memref_slice %arg4[%mul3A_267, %dma_start3A_276] : memref<131072x64xi32, #tpu.memory_space<hbm>> -> memref<128x64xi32, #tpu.memory_space<hbm>>
          %dma_start3A_278 = arith.constant 0 : i32
          %dma_start3A_279 = arith.constant 0 : i32
          %dma_start3A_280 = tpu.memref_slice %run_scoped3A_8[%rem3A_265, %dma_start3A_278, %dma_start3A_279] : memref<2x128x64xi32, #tpu.memory_space<vmem>> -> memref<1x128x64xi32, #tpu.memory_space<vmem>>
          %dma_start3A_281 = tpu.memref_squeeze %dma_start3A_280 : memref<1x128x64xi32, #tpu.memory_space<vmem>> -> memref<128x64xi32, #tpu.memory_space<vmem>>
          tpu.enqueue_dma source(%dma_start3A_281 : memref<128x64xi32, #tpu.memory_space<vmem>>) target(%dma_start3A_277 : memref<128x64xi32, #tpu.memory_space<hbm>>) target_semaphore(%dma_start3A_275 : memref<!tpu.dma_semaphore, #tpu.memory_space<semaphore_mem>>)
          "tpu.trace_stop"() : () -> ()
        } else {
        }
        %and3A_217 = arith.constant true
        %and3A_218 = arith.andi %or3A_213, %and3A_217 : i1
        %add3A_219 = arith.constant 1 : i32
        %add3A_220 = arith.addi %scan3A_124, %add3A_219 : i32
        %select_n3A_221 = arith.select %and3A_218, %add3A_220, %scan3A_124 : i32
        %ne3A_222 = arith.cmpi ne, %add3A_131, %add3A_140 : i32
        %or3A_223 = arith.constant false
        %or3A_224 = arith.ori %or3A_223, %ne3A_222 : i1
        %not3A_225 = arith.constant true
        %not3A_226 = arith.xori %eq3A_128, %not3A_225 : i1
        %and3A_227 = arith.andi %or3A_224, %not3A_226 : i1
        %convert_element_type3A_228 = arith.extui %and3A_227 : i1 to i32
        %cond3A_229 = arith.constant 0 : i32
        %cond3A_230 = arith.cmpi ne, %convert_element_type3A_228, %cond3A_229 : i32
        scf.if %cond3A_230 {
        } else {
        }
        %and3A_231 = arith.constant false
        %and3A_232 = arith.andi %and3A_227, %and3A_231 : i1
        %ne3A_233 = arith.cmpi ne, %add3A_131, %add3A_140 : i32
        %or3A_234 = arith.constant false
        %or3A_235 = arith.ori %or3A_234, %ne3A_233 : i1
        %or3A_236 = arith.constant false
        %or3A_237 = arith.ori %or3A_235, %or3A_236 : i1
        %not3A_238 = arith.constant true
        %not3A_239 = arith.xori %eq3A_128, %not3A_238 : i1
        %and3A_240 = arith.andi %or3A_237, %not3A_239 : i1
        %convert_element_type3A_241 = arith.extui %and3A_240 : i1 to i32
        %cond3A_242 = arith.constant 0 : i32
        %cond3A_243 = arith.cmpi ne, %convert_element_type3A_241, %cond3A_242 : i32
        scf.if %cond3A_243 {
          "tpu.trace_start"() <{level = 10 : i32, message = "ep_wait_out"}> : () -> ()
          %rem3A_264 = arith.constant 2 : i32
          %rem3A_265 = arith.remui %scan3A_125, %rem3A_264 : i32
          %mul3A_266 = arith.constant 128 : i32
          %mul3A_267 = arith.muli %mul3A_266, %add3A_140 : i32
          %dma_wait3A_268 = arith.constant 0 : i32
          %dma_wait3A_269 = arith.constant 0 : i32
          %dma_wait3A_270 = tpu.memref_slice %run_scoped3A_8[%rem3A_265, %dma_wait3A_268, %dma_wait3A_269] : memref<2x128x64xi32, #tpu.memory_space<vmem>> -> memref<1x128x64xi32, #tpu.memory_space<vmem>>
          %dma_wait3A_271 = tpu.memref_squeeze %dma_wait3A_270 : memref<1x128x64xi32, #tpu.memory_space<vmem>> -> memref<128x64xi32, #tpu.memory_space<vmem>>
          %dma_wait3A_272 = arith.constant 0 : i32
          %dma_wait3A_273 = tpu.memref_slice %arg4[%mul3A_267, %dma_wait3A_272] : memref<131072x64xi32, #tpu.memory_space<hbm>> -> memref<128x64xi32, #tpu.memory_space<hbm>>
          %dma_wait3A_274 = tpu.memref_slice %run_scoped3A_9[%rem3A_265] : memref<2x!tpu.dma_semaphore, #tpu.memory_space<semaphore_mem>> -> memref<1x!tpu.dma_semaphore, #tpu.memory_space<semaphore_mem>>
          %dma_wait3A_275 = tpu.memref_squeeze %dma_wait3A_274 : memref<1x!tpu.dma_semaphore, #tpu.memory_space<semaphore_mem>> -> memref<!tpu.dma_semaphore, #tpu.memory_space<semaphore_mem>>
          %dma_wait3A_276 = arith.constant 0 : i32
          %dma_wait3A_277 = tpu.memref_slice %arg4[%mul3A_267, %dma_wait3A_276] : memref<131072x64xi32, #tpu.memory_space<hbm>> -> memref<128x64xi32, #tpu.memory_space<hbm>>
          %dma_wait3A_278 = arith.constant 0 : i32
          %dma_wait3A_279 = arith.constant 0 : i32
          %dma_wait3A_280 = tpu.memref_slice %run_scoped3A_8[%rem3A_265, %dma_wait3A_278, %dma_wait3A_279] : memref<2x128x64xi32, #tpu.memory_space<vmem>> -> memref<1x128x64xi32, #tpu.memory_space<vmem>>
          %dma_wait3A_281 = tpu.memref_squeeze %dma_wait3A_280 : memref<1x128x64xi32, #tpu.memory_space<vmem>> -> memref<128x64xi32, #tpu.memory_space<vmem>>
          tpu.wait_dma2 semaphore(%dma_wait3A_275 : memref<!tpu.dma_semaphore, #tpu.memory_space<semaphore_mem>>) src(%dma_wait3A_281 : memref<128x64xi32, #tpu.memory_space<vmem>>) dst(%dma_wait3A_277 : memref<128x64xi32, #tpu.memory_space<hbm>>)
          "tpu.trace_stop"() : () -> ()
        } else {
        }
        %and3A_244 = arith.constant true
        %and3A_245 = arith.andi %and3A_240, %and3A_244 : i1
        %add3A_246 = arith.constant 1 : i32
        %add3A_247 = arith.addi %scan3A_125, %add3A_246 : i32
        %select_n3A_248 = arith.select %and3A_245, %add3A_247, %scan3A_125 : i32
        %ne3A_249 = arith.cmpi ne, %add3A_131, %add3A_149 : i32
        %or3A_250 = arith.constant false
        %or3A_251 = arith.ori %or3A_250, %ne3A_249 : i1
        %or3A_252 = arith.ori %or3A_251, %eq3A_130 : i1
        %add3A_253 = arith.constant 1 : i32
        %add3A_254 = arith.addi %scan3A_123, %add3A_253 : i32
        %select_n3A_255 = arith.select %or3A_252, %add3A_254, %scan3A_123 : i32
        %add3A_256 = arith.constant 1 : i32
        %add3A_257 = arith.addi %scan3A_126, %add3A_256 : i32
        %select_n3A_258 = arith.constant true
        %select_n3A_259 = arith.select %select_n3A_258, %add3A_257, %scan3A_126 : i32
        %eq3A_260 = arith.constant 32 : i32
        %eq3A_261 = arith.cmpi eq, %select_n3A_259, %eq3A_260 : i32
        %select_n3A_262 = arith.constant 0 : i32
        %select_n3A_263 = arith.select %eq3A_261, %select_n3A_262, %select_n3A_259 : i32
        scf.yield %select_n3A_167, %select_n3A_255, %select_n3A_221, %select_n3A_248, %select_n3A_263 : i32, i32, i32, i32, i32
      }
      %scan3A_68 = arith.constant 32 : i32
      %sub3A = arith.constant 1 : i32
      %sub3A_69 = arith.subi %scan3A_67#4, %sub3A : i32
      %select_n3A_70 = arith.constant true
      %select_n3A_71 = arith.select %select_n3A_70, %sub3A_69, %scan3A_67#4 : i32
      %eq3A_72 = arith.constant -1 : i32
      %eq3A_73 = arith.cmpi eq, %select_n3A_71, %eq3A_72 : i32
      %select_n3A_74 = arith.constant 31 : i32
      %select_n3A_75 = arith.select %eq3A_73, %select_n3A_74, %select_n3A_71 : i32
      %add3A_76 = arith.addi %select_n3A_75, %mul3A_6 : i32
      %sub3A_77 = arith.constant 1 : i32
      %sub3A_78 = arith.subi %select_n3A_75, %sub3A_77 : i32
      %select_n3A_79 = arith.constant true
      %select_n3A_80 = arith.select %select_n3A_79, %sub3A_78, %select_n3A_75 : i32
      %eq3A_81 = arith.constant -1 : i32
      %eq3A_82 = arith.cmpi eq, %select_n3A_80, %eq3A_81 : i32
      %select_n3A_83 = arith.constant 31 : i32
      %select_n3A_84 = arith.select %eq3A_82, %select_n3A_83, %select_n3A_80 : i32
      %add3A_85 = arith.addi %select_n3A_84, %mul3A_6 : i32
      %add3A_86 = arith.constant 1 : i32
      %add3A_87 = arith.addi %select_n3A_75, %add3A_86 : i32
      %select_n3A_88 = arith.constant true
      %select_n3A_89 = arith.select %select_n3A_88, %add3A_87, %select_n3A_75 : i32
      %eq3A_90 = arith.constant 32 : i32
      %eq3A_91 = arith.cmpi eq, %select_n3A_89, %eq3A_90 : i32
      %select_n3A_92 = arith.constant 0 : i32
      %select_n3A_93 = arith.select %eq3A_91, %select_n3A_92, %select_n3A_89 : i32
      %add3A_94 = arith.addi %select_n3A_93, %mul3A_6 : i32
      %add3A_95 = arith.constant 1 : i32
      %add3A_96 = arith.addi %select_n3A_93, %add3A_95 : i32
      %select_n3A_97 = arith.constant true
      %select_n3A_98 = arith.select %select_n3A_97, %add3A_96, %select_n3A_93 : i32
      %eq3A_99 = arith.constant 32 : i32
      %eq3A_100 = arith.cmpi eq, %select_n3A_98, %eq3A_99 : i32
      %select_n3A_101 = arith.constant 0 : i32
      %select_n3A_102 = arith.select %eq3A_100, %select_n3A_101, %select_n3A_98 : i32
      %add3A_103 = arith.addi %select_n3A_102, %mul3A_6 : i32
      "tpu.trace_start"() <{level = 10 : i32, message = "ep_finalize"}> : () -> ()
      %rem3A_104 = arith.constant 2 : i32
      %rem3A_105 = arith.remui %scan3A_67#3, %rem3A_104 : i32
      %mul3A_106 = arith.constant 128 : i32
      %mul3A_107 = arith.muli %mul3A_106, %add3A_76 : i32
      %dma_wait3A = arith.constant 0 : i32
      %dma_wait3A_108 = arith.constant 0 : i32
      %dma_wait3A_109 = tpu.memref_slice %run_scoped3A_8[%rem3A_105, %dma_wait3A, %dma_wait3A_108] : memref<2x128x64xi32, #tpu.memory_space<vmem>> -> memref<1x128x64xi32, #tpu.memory_space<vmem>>
      %dma_wait3A_110 = tpu.memref_squeeze %dma_wait3A_109 : memref<1x128x64xi32, #tpu.memory_space<vmem>> -> memref<128x64xi32, #tpu.memory_space<vmem>>
      %dma_wait3A_111 = arith.constant 0 : i32
      %dma_wait3A_112 = tpu.memref_slice %arg4[%mul3A_107, %dma_wait3A_111] : memref<131072x64xi32, #tpu.memory_space<hbm>> -> memref<128x64xi32, #tpu.memory_space<hbm>>
      %dma_wait3A_113 = tpu.memref_slice %run_scoped3A_9[%rem3A_105] : memref<2x!tpu.dma_semaphore, #tpu.memory_space<semaphore_mem>> -> memref<1x!tpu.dma_semaphore, #tpu.memory_space<semaphore_mem>>
      %dma_wait3A_114 = tpu.memref_squeeze %dma_wait3A_113 : memref<1x!tpu.dma_semaphore, #tpu.memory_space<semaphore_mem>> -> memref<!tpu.dma_semaphore, #tpu.memory_space<semaphore_mem>>
      %dma_wait3A_115 = arith.constant 0 : i32
      %dma_wait3A_116 = tpu.memref_slice %arg4[%mul3A_107, %dma_wait3A_115] : memref<131072x64xi32, #tpu.memory_space<hbm>> -> memref<128x64xi32, #tpu.memory_space<hbm>>
      %dma_wait3A_117 = arith.constant 0 : i32
      %dma_wait3A_118 = arith.constant 0 : i32
      %dma_wait3A_119 = tpu.memref_slice %run_scoped3A_8[%rem3A_105, %dma_wait3A_117, %dma_wait3A_118] : memref<2x128x64xi32, #tpu.memory_space<vmem>> -> memref<1x128x64xi32, #tpu.memory_space<vmem>>
      %dma_wait3A_120 = tpu.memref_squeeze %dma_wait3A_119 : memref<1x128x64xi32, #tpu.memory_space<vmem>> -> memref<128x64xi32, #tpu.memory_space<vmem>>
      tpu.wait_dma2 semaphore(%dma_wait3A_114 : memref<!tpu.dma_semaphore, #tpu.memory_space<semaphore_mem>>) src(%dma_wait3A_120 : memref<128x64xi32, #tpu.memory_space<vmem>>) dst(%dma_wait3A_116 : memref<128x64xi32, #tpu.memory_space<hbm>>)
      "tpu.trace_stop"() : () -> ()
      tpu.yield
    }) : () -> ()
    return
  }
}

module attributes {stable_mosaic.version = 14 : i64} {
  func.func @_ball_query_body(%arg0: i32, %arg1: i32, %arg2: memref<1x512x3xf32, #tpu.memory_space<vmem>>, %arg3: memref<1x3x4096xf32, #tpu.memory_space<vmem>>, %arg4: memref<1x2048x64xf32, #tpu.memory_space<vmem>>, %arg5: memref<1x2048x3xf32, #tpu.memory_space<vmem>>, %arg6: memref<1x512x32xi32, #tpu.memory_space<vmem>>, %arg7: memref<1x2048x64xi32, #tpu.memory_space<vmem>>, %arg8: memref<4096x256xbf16, #tpu.memory_space<vmem>>, %arg9: memref<4096x256xbf16, #tpu.memory_space<vmem>>, %arg10: memref<256x256xbf16, #tpu.memory_space<vmem>>) attributes {dimension_semantics = [#tpu.dimension_semantics<arbitrary>, #tpu.dimension_semantics<arbitrary>], iteration_bounds = array<i64: 4, 2>, scalar_prefetch = 0 : i64, scratch_operands = 3 : i64, tpu.core_type = #tpu.core_type<tc>, window_params = [{transform_indices = @transform_0, window_bounds = array<i64: 1, 512, 3>}, {transform_indices = @transform_1, window_bounds = array<i64: 1, 3, 4096>}, {transform_indices = @transform_2, window_bounds = array<i64: 1, 2048, 64>}, {transform_indices = @transform_3, window_bounds = array<i64: 1, 2048, 3>}, {transform_indices = @transform_4, window_bounds = array<i64: 1, 512, 32>}, {transform_indices = @transform_5, window_bounds = array<i64: 1, 2048, 64>}]} {
    %eq3A = arith.constant 0 : i32
    %eq3A_0 = arith.cmpi eq, %arg0, %eq3A : i32
    %eq3A_1 = arith.constant 0 : i32
    %eq3A_2 = arith.cmpi eq, %arg1, %eq3A_1 : i32
    %and3A = arith.andi %eq3A_0, %eq3A_2 : i1
    %convert_element_type3A = arith.extui %and3A : i1 to i32
    %cond3A = arith.constant 0 : i32
    %cond3A_3 = arith.cmpi ne, %convert_element_type3A, %cond3A : i32
    scf.if %cond3A_3 {
      %iota3A_1195 = tpu.iota {dimensions = array<i32: 0>} : vector<4096x256xi32>
      %iota3A_1196 = tpu.iota {dimensions = array<i32: 1>} : vector<4096x256xi32>
      %jit3A_1197 = arith.constant 16 : i32
      %div3A = vector.broadcast %jit3A_1197 : i32 to vector<4096x256xi32>
      %div3A_1198 = arith.divsi %iota3A_1195, %div3A : vector<4096x256xi32>
      %sign3A = arith.constant 0 : i32
      %sign3A_1199 = vector.broadcast %sign3A : i32 to vector<4096x256xi32>
      %sign3A_1200 = arith.cmpi sgt, %iota3A_1195, %sign3A_1199 : vector<4096x256xi32>
      %sign3A_1201 = arith.extui %sign3A_1200 : vector<4096x256xi1> to vector<4096x256xi32>
      %sign3A_1202 = arith.constant 0 : i32
      %sign3A_1203 = vector.broadcast %sign3A_1202 : i32 to vector<4096x256xi32>
      %sign3A_1204 = arith.cmpi slt, %iota3A_1195, %sign3A_1203 : vector<4096x256xi32>
      %sign3A_1205 = arith.extui %sign3A_1204 : vector<4096x256xi1> to vector<4096x256xi32>
      %sign3A_1206 = arith.subi %sign3A_1201, %sign3A_1205 : vector<4096x256xi32>
      %sign3A_1207 = arith.constant 0 : i32
      %sign3A_1208 = arith.cmpi sgt, %jit3A_1197, %sign3A_1207 : i32
      %sign3A_1209 = arith.extui %sign3A_1208 : i1 to i32
      %sign3A_1210 = arith.constant 0 : i32
      %sign3A_1211 = arith.cmpi slt, %jit3A_1197, %sign3A_1210 : i32
      %sign3A_1212 = arith.extui %sign3A_1211 : i1 to i32
      %sign3A_1213 = arith.subi %sign3A_1209, %sign3A_1212 : i32
      %ne3A = vector.broadcast %sign3A_1213 : i32 to vector<4096x256xi32>
      %ne3A_1214 = arith.cmpi ne, %sign3A_1206, %ne3A : vector<4096x256xi32>
      %rem3A = vector.broadcast %jit3A_1197 : i32 to vector<4096x256xi32>
      %rem3A_1215 = arith.remsi %iota3A_1195, %rem3A : vector<4096x256xi32>
      %ne3A_1216 = arith.constant 0 : i32
      %ne3A_1217 = vector.broadcast %ne3A_1216 : i32 to vector<4096x256xi32>
      %ne3A_1218 = arith.cmpi ne, %rem3A_1215, %ne3A_1217 : vector<4096x256xi32>
      %and3A_1219 = arith.andi %ne3A_1214, %ne3A_1218 : vector<4096x256xi1>
      %sub3A_1220 = arith.constant 1 : i32
      %sub3A_1221 = vector.broadcast %sub3A_1220 : i32 to vector<4096x256xi32>
      %sub3A_1222 = arith.subi %div3A_1198, %sub3A_1221 : vector<4096x256xi32>
      %select_n3A_1223 = arith.select %and3A_1219, %sub3A_1222, %div3A_1198 : vector<4096x256xi1>, vector<4096x256xi32>
      %eq3A_1224 = arith.cmpi eq, %select_n3A_1223, %iota3A_1196 : vector<4096x256xi32>
      %jit3A_1225 = arith.constant 16 : i32
      %eq3A_1226 = arith.constant 0 : i32
      %eq3A_1227 = arith.cmpi eq, %jit3A_1225, %eq3A_1226 : i32
      %jit3A_1228 = arith.constant 1 : i32
      %select_n3A_1229 = arith.select %eq3A_1227, %jit3A_1228, %jit3A_1225 : i32
      %rem3A_1230 = vector.broadcast %select_n3A_1229 : i32 to vector<4096x256xi32>
      %rem3A_1231 = arith.remsi %iota3A_1195, %rem3A_1230 : vector<4096x256xi32>
      %ne3A_1232 = arith.constant 0 : i32
      %ne3A_1233 = vector.broadcast %ne3A_1232 : i32 to vector<4096x256xi32>
      %ne3A_1234 = arith.cmpi ne, %rem3A_1231, %ne3A_1233 : vector<4096x256xi32>
      %lt3A_1235 = arith.constant 0 : i32
      %lt3A_1236 = vector.broadcast %lt3A_1235 : i32 to vector<4096x256xi32>
      %lt3A_1237 = arith.cmpi slt, %rem3A_1231, %lt3A_1236 : vector<4096x256xi32>
      %lt3A_1238 = arith.constant 0 : i32
      %lt3A_1239 = arith.cmpi slt, %select_n3A_1229, %lt3A_1238 : i32
      %ne3A_1240 = vector.broadcast %lt3A_1239 : i1 to vector<4096x256xi1>
      %ne3A_1241 = vector.broadcast %ne3A_1240 : vector<4096x256xi1> to vector<4096x256xi1>
      %ne3A_1242 = arith.xori %lt3A_1237, %ne3A_1241 : vector<4096x256xi1>
      %and3A_1243 = arith.andi %ne3A_1242, %ne3A_1234 : vector<4096x256xi1>
      %add3A_1244 = vector.broadcast %select_n3A_1229 : i32 to vector<4096x256xi32>
      %add3A_1245 = arith.addi %rem3A_1231, %add3A_1244 : vector<4096x256xi32>
      %select_n3A_1246 = arith.select %and3A_1243, %add3A_1245, %rem3A_1231 : vector<4096x256xi1>, vector<4096x256xi32>
      %shift_left3A = arith.constant 1 : i32
      %shift_left3A_1247 = vector.broadcast %shift_left3A : i32 to vector<4096x256xi32>
      %shift_left3A_1248 = arith.shli %shift_left3A_1247, %select_n3A_1246 : vector<4096x256xi32>
      %convert_element_type3A_1249 = arith.sitofp %shift_left3A_1248 : vector<4096x256xi32> to vector<4096x256xf32>
      %jit3A_1250 = arith.constant 0.000000e+00 : f32
      %broadcast_in_dim3A_1251 = vector.broadcast %jit3A_1250 : f32 to vector<4096x256xf32>
      %select_n3A_1252 = arith.select %eq3A_1224, %convert_element_type3A_1249, %broadcast_in_dim3A_1251 : vector<4096x256xi1>, vector<4096x256xf32>
      %convert_element_type3A_1253 = arith.truncf %select_n3A_1252 : vector<4096x256xf32> to vector<4096x256xbf16>
      %swap3A_1254 = arith.constant 0 : index
      %swap3A_1255 = arith.constant 0 : index
      %swap3A_1256 = vector.load %arg8[%swap3A_1254, %swap3A_1255] : memref<4096x256xbf16, #tpu.memory_space<vmem>>, vector<4096x256xbf16>
      tpu.vector_store %arg8[%swap3A_1254, %swap3A_1255], %convert_element_type3A_1253 {strides = array<i32>} : memref<4096x256xbf16, #tpu.memory_space<vmem>>, vector<4096x256xbf16>,
      %convert_element_type3A_1257 = arith.extui %eq3A_1224 : vector<4096x256xi1> to vector<4096x256xi32>
      %convert_element_type3A_1258 = arith.sitofp %convert_element_type3A_1257 : vector<4096x256xi32> to vector<4096x256xf32>
      %convert_element_type3A_1259 = arith.truncf %convert_element_type3A_1258 : vector<4096x256xf32> to vector<4096x256xbf16>
      %swap3A_1260 = arith.constant 0 : index
      %swap3A_1261 = arith.constant 0 : index
      %swap3A_1262 = vector.load %arg9[%swap3A_1260, %swap3A_1261] : memref<4096x256xbf16, #tpu.memory_space<vmem>>, vector<4096x256xbf16>
      tpu.vector_store %arg9[%swap3A_1260, %swap3A_1261], %convert_element_type3A_1259 {strides = array<i32>} : memref<4096x256xbf16, #tpu.memory_space<vmem>>, vector<4096x256xbf16>,
      %iota3A_1263 = tpu.iota {dimensions = array<i32: 0>} : vector<256x256xi32>
      %iota3A_1264 = tpu.iota {dimensions = array<i32: 1>} : vector<256x256xi32>
      %lt3A_1265 = arith.cmpi slt, %iota3A_1263, %iota3A_1264 : vector<256x256xi32>
      %convert_element_type3A_1266 = arith.extui %lt3A_1265 : vector<256x256xi1> to vector<256x256xi32>
      %convert_element_type3A_1267 = arith.sitofp %convert_element_type3A_1266 : vector<256x256xi32> to vector<256x256xf32>
      %convert_element_type3A_1268 = arith.truncf %convert_element_type3A_1267 : vector<256x256xf32> to vector<256x256xbf16>
      %swap3A_1269 = arith.constant 0 : index
      %swap3A_1270 = arith.constant 0 : index
      %swap3A_1271 = vector.load %arg10[%swap3A_1269, %swap3A_1270] : memref<256x256xbf16, #tpu.memory_space<vmem>>, vector<256x256xbf16>
      tpu.vector_store %arg10[%swap3A_1269, %swap3A_1270], %convert_element_type3A_1268 {strides = array<i32>} : memref<256x256xbf16, #tpu.memory_space<vmem>>, vector<256x256xbf16>,
    } else {
    }
    %get3A = arith.constant 0 : index
    %get3A_4 = arith.constant 0 : index
    %get3A_5 = arith.constant 0 : index
    %get3A_6 = vector.load %arg4[%get3A, %get3A_4, %get3A_5] : memref<1x2048x64xf32, #tpu.memory_space<vmem>>, vector<1x2048x64xf32>
    %get3A_7 = vector.shape_cast %get3A_6 : vector<1x2048x64xf32> to vector<2048x64xf32>
    %get3A_8 = arith.constant 0 : index
    %get3A_9 = arith.constant 0 : index
    %get3A_10 = arith.constant 0 : index
    %get3A_11 = vector.load %arg5[%get3A_8, %get3A_9, %get3A_10] : memref<1x2048x3xf32, #tpu.memory_space<vmem>>, vector<1x2048x3xf32>
    %get3A_12 = vector.shape_cast %get3A_11 : vector<1x2048x3xf32> to vector<2048x3xf32>
    %bitcast_convert_type3A = tpu.bitcast %get3A_7 : vector<2048x64xf32> -> vector<2048x64xi32>
    %add3A = arith.constant 32767 : i32
    %add3A_13 = vector.broadcast %add3A : i32 to vector<2048x64xi32>
    %add3A_14 = arith.addi %bitcast_convert_type3A, %add3A_13 : vector<2048x64xi32>
    %shift_right_logical3A = arith.constant 16 : i32
    %shift_right_logical3A_15 = vector.broadcast %shift_right_logical3A : i32 to vector<2048x64xi32>
    %shift_right_logical3A_16 = arith.shrui %bitcast_convert_type3A, %shift_right_logical3A_15 : vector<2048x64xi32>
    %and3A_17 = arith.constant 1 : i32
    %and3A_18 = vector.broadcast %and3A_17 : i32 to vector<2048x64xi32>
    %and3A_19 = arith.andi %shift_right_logical3A_16, %and3A_18 : vector<2048x64xi32>
    %add3A_20 = arith.addi %add3A_14, %and3A_19 : vector<2048x64xi32>
    %shift_right_logical3A_21 = arith.constant 16 : i32
    %shift_right_logical3A_22 = vector.broadcast %shift_right_logical3A_21 : i32 to vector<2048x64xi32>
    %shift_right_logical3A_23 = arith.shrui %add3A_20, %shift_right_logical3A_22 : vector<2048x64xi32>
    %bitcast_convert_type3A_24 = tpu.bitcast %get3A_12 : vector<2048x3xf32> -> vector<2048x3xi32>
    %add3A_25 = arith.constant 32767 : i32
    %add3A_26 = vector.broadcast %add3A_25 : i32 to vector<2048x3xi32>
    %add3A_27 = arith.addi %bitcast_convert_type3A_24, %add3A_26 : vector<2048x3xi32>
    %shift_right_logical3A_28 = arith.constant 16 : i32
    %shift_right_logical3A_29 = vector.broadcast %shift_right_logical3A_28 : i32 to vector<2048x3xi32>
    %shift_right_logical3A_30 = arith.shrui %bitcast_convert_type3A_24, %shift_right_logical3A_29 : vector<2048x3xi32>
    %and3A_31 = arith.constant 1 : i32
    %and3A_32 = vector.broadcast %and3A_31 : i32 to vector<2048x3xi32>
    %and3A_33 = arith.andi %shift_right_logical3A_30, %and3A_32 : vector<2048x3xi32>
    %add3A_34 = arith.addi %add3A_27, %and3A_33 : vector<2048x3xi32>
    %and3A_35 = arith.constant -65536 : i32
    %and3A_36 = vector.broadcast %and3A_35 : i32 to vector<2048x3xi32>
    %and3A_37 = arith.andi %add3A_34, %and3A_36 : vector<2048x3xi32>
    %broadcast_in_dim3A = arith.constant 0 : i32
    %broadcast_in_dim3A_38 = vector.broadcast %broadcast_in_dim3A : i32 to vector<2048x61xi32>
    %concatenate3A = tpu.concatenate %and3A_37, %broadcast_in_dim3A_38 in 1 : vector<2048x3xi32>, vector<2048x61xi32> -> vector<2048x64xi32>
    %or3A = arith.ori %shift_right_logical3A_23, %concatenate3A : vector<2048x64xi32>
    %bitcast_convert_type3A_39 = tpu.bitcast %or3A : vector<2048x64xi32> -> vector<2048x64xi32>
    %swap3A = arith.constant 0 : index
    %swap3A_40 = arith.constant 0 : index
    %swap3A_41 = arith.constant 0 : index
    %swap3A_42 = vector.load %arg7[%swap3A, %swap3A_40, %swap3A_41] : memref<1x2048x64xi32, #tpu.memory_space<vmem>>, vector<1x2048x64xi32>
    %swap3A_43 = vector.shape_cast %swap3A_42 : vector<1x2048x64xi32> to vector<2048x64xi32>
    %swap3A_44 = vector.shape_cast %bitcast_convert_type3A_39 : vector<2048x64xi32> to vector<1x2048x64xi32>
    tpu.vector_store %arg7[%swap3A, %swap3A_40, %swap3A_41], %swap3A_44 {strides = array<i32>} : memref<1x2048x64xi32, #tpu.memory_space<vmem>>, vector<1x2048x64xi32>,
    %get3A_45 = arith.constant 0 : index
    %get3A_46 = arith.constant 0 : index
    %get3A_47 = arith.constant 0 : index
    %get3A_48 = vector.load %arg2[%get3A_45, %get3A_46, %get3A_47] : memref<1x512x3xf32, #tpu.memory_space<vmem>>, vector<1x512x3xf32>
    %get3A_49 = vector.shape_cast %get3A_48 : vector<1x512x3xf32> to vector<512x3xf32>
    %get3A_50 = arith.constant 0 : index
    %get3A_51 = arith.constant 0 : index
    %get3A_52 = arith.constant 0 : index
    %get3A_53 = vector.load %arg3[%get3A_50, %get3A_51, %get3A_52] : memref<1x3x4096xf32, #tpu.memory_space<vmem>>, vector<1x3x4096xf32>
    %get3A_54 = vector.shape_cast %get3A_53 : vector<1x3x4096xf32> to vector<3x4096xf32>
    %slice3A = vector.extract_strided_slice %get3A_49 {offsets = [0, 0], sizes = [512, 1], strides = [1, 1]} : vector<512x3xf32> to vector<512x1xf32>
    %slice3A_55 = vector.extract_strided_slice %get3A_49 {offsets = [0, 1], sizes = [512, 1], strides = [1, 1]} : vector<512x3xf32> to vector<512x1xf32>
    %slice3A_56 = vector.extract_strided_slice %get3A_49 {offsets = [0, 2], sizes = [512, 1], strides = [1, 1]} : vector<512x3xf32> to vector<512x1xf32>
    %slice3A_57 = vector.extract_strided_slice %get3A_54 {offsets = [0, 0], sizes = [1, 4096], strides = [1, 1]} : vector<3x4096xf32> to vector<1x4096xf32>
    %slice3A_58 = vector.extract_strided_slice %get3A_54 {offsets = [1, 0], sizes = [1, 4096], strides = [1, 1]} : vector<3x4096xf32> to vector<1x4096xf32>
    %slice3A_59 = vector.extract_strided_slice %get3A_54 {offsets = [2, 0], sizes = [1, 4096], strides = [1, 1]} : vector<3x4096xf32> to vector<1x4096xf32>
    %mul3A = arith.mulf %slice3A, %slice3A : vector<512x1xf32>
    %mul3A_60 = arith.mulf %slice3A_55, %slice3A_55 : vector<512x1xf32>
    %add3A_61 = arith.addf %mul3A, %mul3A_60 : vector<512x1xf32>
    %mul3A_62 = arith.mulf %slice3A_56, %slice3A_56 : vector<512x1xf32>
    %add3A_63 = arith.addf %add3A_61, %mul3A_62 : vector<512x1xf32>
    %mul3A_64 = arith.mulf %slice3A_57, %slice3A_57 : vector<1x4096xf32>
    %mul3A_65 = arith.mulf %slice3A_58, %slice3A_58 : vector<1x4096xf32>
    %add3A_66 = arith.addf %mul3A_64, %mul3A_65 : vector<1x4096xf32>
    %mul3A_67 = arith.mulf %slice3A_59, %slice3A_59 : vector<1x4096xf32>
    %add3A_68 = arith.addf %add3A_66, %mul3A_67 : vector<1x4096xf32>
    %convert_element_type3A_69 = arith.truncf %get3A_49 : vector<512x3xf32> to vector<512x3xbf16>
    %convert_element_type3A_70 = arith.truncf %get3A_54 : vector<3x4096xf32> to vector<3x4096xbf16>
    %dot_general3A = arith.constant dense<0.000000e+00> : vector<512x4096xf32>
    %dot_general3A_71 = tpu.matmul %convert_element_type3A_69, %convert_element_type3A_70, %dot_general3A {dimension_numbers = #tpu.dot_dimension_numbers<[1], [0], [0], [1], [0, 0, 1, 1], [], []>, transpose_lhs_hint = false} : vector<512x3xbf16>, vector<3x4096xbf16>, vector<512x4096xf32> -> vector<512x4096xf32>
    %add3A_72 = vector.broadcast %add3A_63 : vector<512x1xf32> to vector<512x4096xf32>
    %add3A_73 = vector.broadcast %add3A_68 : vector<1x4096xf32> to vector<512x4096xf32>
    %add3A_74 = arith.addf %add3A_72, %add3A_73 : vector<512x4096xf32>
    %mul3A_75 = arith.constant 2.000000e+00 : f32
    %mul3A_76 = vector.broadcast %mul3A_75 : f32 to vector<512x4096xf32>
    %mul3A_77 = arith.mulf %mul3A_76, %dot_general3A_71 : vector<512x4096xf32>
    %sub3A = arith.subf %add3A_74, %mul3A_77 : vector<512x4096xf32>
    %lt3A = arith.constant 4.000000e-02 : f32
    %lt3A_78 = vector.broadcast %lt3A : f32 to vector<512x4096xf32>
    %lt3A_79 = arith.cmpf olt, %sub3A, %lt3A_78 : vector<512x4096xf32>
    %convert_element_type3A_80 = arith.extui %lt3A_79 : vector<512x4096xi1> to vector<512x4096xi32>
    %convert_element_type3A_81 = arith.sitofp %convert_element_type3A_80 : vector<512x4096xi32> to vector<512x4096xf32>
    %convert_element_type3A_82 = arith.truncf %convert_element_type3A_81 : vector<512x4096xf32> to vector<512x4096xbf16>
    %get3A_83 = arith.constant 0 : index
    %get3A_84 = arith.constant 0 : index
    %get3A_85 = vector.load %arg8[%get3A_83, %get3A_84] : memref<4096x256xbf16, #tpu.memory_space<vmem>>, vector<4096x256xbf16>
    %dot_general3A_86 = arith.constant dense<0.000000e+00> : vector<512x256xf32>
    %dot_general3A_87 = tpu.matmul %convert_element_type3A_82, %get3A_85, %dot_general3A_86 {dimension_numbers = #tpu.dot_dimension_numbers<[1], [0], [0], [1], [0, 0, 1, 1], [], []>, transpose_lhs_hint = false} : vector<512x4096xbf16>, vector<4096x256xbf16>, vector<512x256xf32> -> vector<512x256xf32>
    %get3A_88 = arith.constant 0 : index
    %get3A_89 = arith.constant 0 : index
    %get3A_90 = vector.load %arg9[%get3A_88, %get3A_89] : memref<4096x256xbf16, #tpu.memory_space<vmem>>, vector<4096x256xbf16>
    %dot_general3A_91 = arith.constant dense<0.000000e+00> : vector<512x256xf32>
    %dot_general3A_92 = tpu.matmul %convert_element_type3A_82, %get3A_90, %dot_general3A_91 {dimension_numbers = #tpu.dot_dimension_numbers<[1], [0], [0], [1], [0, 0, 1, 1], [], []>, transpose_lhs_hint = false} : vector<512x4096xbf16>, vector<4096x256xbf16>, vector<512x256xf32> -> vector<512x256xf32>
    %convert_element_type3A_93 = arith.truncf %dot_general3A_92 : vector<512x256xf32> to vector<512x256xbf16>
    %get3A_94 = arith.constant 0 : index
    %get3A_95 = arith.constant 0 : index
    %get3A_96 = vector.load %arg10[%get3A_94, %get3A_95] : memref<256x256xbf16, #tpu.memory_space<vmem>>, vector<256x256xbf16>
    %dot_general3A_97 = arith.constant dense<0.000000e+00> : vector<512x256xf32>
    %dot_general3A_98 = tpu.matmul %convert_element_type3A_93, %get3A_96, %dot_general3A_97 {dimension_numbers = #tpu.dot_dimension_numbers<[1], [0], [0], [1], [0, 0, 1, 1], [], []>, transpose_lhs_hint = false} : vector<512x256xbf16>, vector<256x256xbf16>, vector<512x256xf32> -> vector<512x256xf32>
    %add3A_99 = arith.addf %dot_general3A_98, %dot_general3A_92 : vector<512x256xf32>
    %slice3A_100 = vector.extract_strided_slice %add3A_99 {offsets = [0, 255], sizes = [512, 1], strides = [1, 1]} : vector<512x256xf32> to vector<512x1xf32>
    %iota3A = tpu.iota {dimensions = array<i32: 1>} : vector<1x256xi32>
    %convert_element_type3A_101 = arith.sitofp %iota3A : vector<1x256xi32> to vector<1x256xf32>
    %le3A = arith.constant 0.000000e+00 : f32
    %le3A_102 = vector.broadcast %le3A : f32 to vector<512x256xf32>
    %le3A_103 = arith.cmpf ole, %dot_general3A_98, %le3A_102 : vector<512x256xf32>
    %gt3A = arith.constant 0.000000e+00 : f32
    %gt3A_104 = vector.broadcast %gt3A : f32 to vector<512x256xf32>
    %gt3A_105 = arith.cmpf ogt, %add3A_99, %gt3A_104 : vector<512x256xf32>
    %and3A_106 = arith.andi %le3A_103, %gt3A_105 : vector<512x256xi1>
    %jit3A = arith.constant 1.000000e+00 : f32
    %jit3A_107 = arith.constant 0.000000e+00 : f32
    %broadcast_in_dim3A_108 = vector.broadcast %jit3A : f32 to vector<512x256xf32>
    %broadcast_in_dim3A_109 = vector.broadcast %jit3A_107 : f32 to vector<512x256xf32>
    %select_n3A = arith.select %and3A_106, %broadcast_in_dim3A_108, %broadcast_in_dim3A_109 : vector<512x256xi1>, vector<512x256xf32>
    %mul3A_110 = vector.broadcast %convert_element_type3A_101 : vector<1x256xf32> to vector<512x256xf32>
    %mul3A_111 = arith.mulf %select_n3A, %mul3A_110 : vector<512x256xf32>
    %reduce_sum3A = arith.constant dense<0.000000e+00> : vector<512xf32>
    %reduce_sum3A_112 = vector.multi_reduction <add>, %mul3A_111, %reduce_sum3A [1] : vector<512x256xf32> to vector<512xf32>
    %broadcast_in_dim3A_113 = vector.shape_cast %reduce_sum3A_112 : vector<512xf32> to vector<512x1xf32>
    %mul3A_114 = arith.mulf %select_n3A, %dot_general3A_98 : vector<512x256xf32>
    %reduce_sum3A_115 = arith.constant dense<0.000000e+00> : vector<512xf32>
    %reduce_sum3A_116 = vector.multi_reduction <add>, %mul3A_114, %reduce_sum3A_115 [1] : vector<512x256xf32> to vector<512xf32>
    %broadcast_in_dim3A_117 = vector.shape_cast %reduce_sum3A_116 : vector<512xf32> to vector<512x1xf32>
    %mul3A_118 = arith.mulf %select_n3A, %dot_general3A_87 : vector<512x256xf32>
    %reduce_sum3A_119 = arith.constant dense<0.000000e+00> : vector<512xf32>
    %reduce_sum3A_120 = vector.multi_reduction <add>, %mul3A_118, %reduce_sum3A_119 [1] : vector<512x256xf32> to vector<512xf32>
    %broadcast_in_dim3A_121 = vector.shape_cast %reduce_sum3A_120 : vector<512xf32> to vector<512x1xf32>
    %le3A_122 = arith.constant 1.000000e+00 : f32
    %le3A_123 = vector.broadcast %le3A_122 : f32 to vector<512x256xf32>
    %le3A_124 = arith.cmpf ole, %dot_general3A_98, %le3A_123 : vector<512x256xf32>
    %gt3A_125 = arith.constant 1.000000e+00 : f32
    %gt3A_126 = vector.broadcast %gt3A_125 : f32 to vector<512x256xf32>
    %gt3A_127 = arith.cmpf ogt, %add3A_99, %gt3A_126 : vector<512x256xf32>
    %and3A_128 = arith.andi %le3A_124, %gt3A_127 : vector<512x256xi1>
    %jit3A_129 = arith.constant 1.000000e+00 : f32
    %jit3A_130 = arith.constant 0.000000e+00 : f32
    %broadcast_in_dim3A_131 = vector.broadcast %jit3A_129 : f32 to vector<512x256xf32>
    %broadcast_in_dim3A_132 = vector.broadcast %jit3A_130 : f32 to vector<512x256xf32>
    %select_n3A_133 = arith.select %and3A_128, %broadcast_in_dim3A_131, %broadcast_in_dim3A_132 : vector<512x256xi1>, vector<512x256xf32>
    %mul3A_134 = vector.broadcast %convert_element_type3A_101 : vector<1x256xf32> to vector<512x256xf32>
    %mul3A_135 = arith.mulf %select_n3A_133, %mul3A_134 : vector<512x256xf32>
    %reduce_sum3A_136 = arith.constant dense<0.000000e+00> : vector<512xf32>
    %reduce_sum3A_137 = vector.multi_reduction <add>, %mul3A_135, %reduce_sum3A_136 [1] : vector<512x256xf32> to vector<512xf32>
    %broadcast_in_dim3A_138 = vector.shape_cast %reduce_sum3A_137 : vector<512xf32> to vector<512x1xf32>
    %mul3A_139 = arith.mulf %select_n3A_133, %dot_general3A_98 : vector<512x256xf32>
    %reduce_sum3A_140 = arith.constant dense<0.000000e+00> : vector<512xf32>
    %reduce_sum3A_141 = vector.multi_reduction <add>, %mul3A_139, %reduce_sum3A_140 [1] : vector<512x256xf32> to vector<512xf32>
    %broadcast_in_dim3A_142 = vector.shape_cast %reduce_sum3A_141 : vector<512xf32> to vector<512x1xf32>
    %mul3A_143 = arith.mulf %select_n3A_133, %dot_general3A_87 : vector<512x256xf32>
    %reduce_sum3A_144 = arith.constant dense<0.000000e+00> : vector<512xf32>
    %reduce_sum3A_145 = vector.multi_reduction <add>, %mul3A_143, %reduce_sum3A_144 [1] : vector<512x256xf32> to vector<512xf32>
    %broadcast_in_dim3A_146 = vector.shape_cast %reduce_sum3A_145 : vector<512xf32> to vector<512x1xf32>
    %le3A_147 = arith.constant 2.000000e+00 : f32
    %le3A_148 = vector.broadcast %le3A_147 : f32 to vector<512x256xf32>
    %le3A_149 = arith.cmpf ole, %dot_general3A_98, %le3A_148 : vector<512x256xf32>
    %gt3A_150 = arith.constant 2.000000e+00 : f32
    %gt3A_151 = vector.broadcast %gt3A_150 : f32 to vector<512x256xf32>
    %gt3A_152 = arith.cmpf ogt, %add3A_99, %gt3A_151 : vector<512x256xf32>
    %and3A_153 = arith.andi %le3A_149, %gt3A_152 : vector<512x256xi1>
    %jit3A_154 = arith.constant 1.000000e+00 : f32
    %jit3A_155 = arith.constant 0.000000e+00 : f32
    %broadcast_in_dim3A_156 = vector.broadcast %jit3A_154 : f32 to vector<512x256xf32>
    %broadcast_in_dim3A_157 = vector.broadcast %jit3A_155 : f32 to vector<512x256xf32>
    %select_n3A_158 = arith.select %and3A_153, %broadcast_in_dim3A_156, %broadcast_in_dim3A_157 : vector<512x256xi1>, vector<512x256xf32>
    %mul3A_159 = vector.broadcast %convert_element_type3A_101 : vector<1x256xf32> to vector<512x256xf32>
    %mul3A_160 = arith.mulf %select_n3A_158, %mul3A_159 : vector<512x256xf32>
    %reduce_sum3A_161 = arith.constant dense<0.000000e+00> : vector<512xf32>
    %reduce_sum3A_162 = vector.multi_reduction <add>, %mul3A_160, %reduce_sum3A_161 [1] : vector<512x256xf32> to vector<512xf32>
    %broadcast_in_dim3A_163 = vector.shape_cast %reduce_sum3A_162 : vector<512xf32> to vector<512x1xf32>
    %mul3A_164 = arith.mulf %select_n3A_158, %dot_general3A_98 : vector<512x256xf32>
    %reduce_sum3A_165 = arith.constant dense<0.000000e+00> : vector<512xf32>
    %reduce_sum3A_166 = vector.multi_reduction <add>, %mul3A_164, %reduce_sum3A_165 [1] : vector<512x256xf32> to vector<512xf32>
    %broadcast_in_dim3A_167 = vector.shape_cast %reduce_sum3A_166 : vector<512xf32> to vector<512x1xf32>
    %mul3A_168 = arith.mulf %select_n3A_158, %dot_general3A_87 : vector<512x256xf32>
    %reduce_sum3A_169 = arith.constant dense<0.000000e+00> : vector<512xf32>
    %reduce_sum3A_170 = vector.multi_reduction <add>, %mul3A_168, %reduce_sum3A_169 [1] : vector<512x256xf32> to vector<512xf32>
    %broadcast_in_dim3A_171 = vector.shape_cast %reduce_sum3A_170 : vector<512xf32> to vector<512x1xf32>
    %le3A_172 = arith.constant 3.000000e+00 : f32
    %le3A_173 = vector.broadcast %le3A_172 : f32 to vector<512x256xf32>
    %le3A_174 = arith.cmpf ole, %dot_general3A_98, %le3A_173 : vector<512x256xf32>
    %gt3A_175 = arith.constant 3.000000e+00 : f32
    %gt3A_176 = vector.broadcast %gt3A_175 : f32 to vector<512x256xf32>
    %gt3A_177 = arith.cmpf ogt, %add3A_99, %gt3A_176 : vector<512x256xf32>
    %and3A_178 = arith.andi %le3A_174, %gt3A_177 : vector<512x256xi1>
    %jit3A_179 = arith.constant 1.000000e+00 : f32
    %jit3A_180 = arith.constant 0.000000e+00 : f32
    %broadcast_in_dim3A_181 = vector.broadcast %jit3A_179 : f32 to vector<512x256xf32>
    %broadcast_in_dim3A_182 = vector.broadcast %jit3A_180 : f32 to vector<512x256xf32>
    %select_n3A_183 = arith.select %and3A_178, %broadcast_in_dim3A_181, %broadcast_in_dim3A_182 : vector<512x256xi1>, vector<512x256xf32>
    %mul3A_184 = vector.broadcast %convert_element_type3A_101 : vector<1x256xf32> to vector<512x256xf32>
    %mul3A_185 = arith.mulf %select_n3A_183, %mul3A_184 : vector<512x256xf32>
    %reduce_sum3A_186 = arith.constant dense<0.000000e+00> : vector<512xf32>
    %reduce_sum3A_187 = vector.multi_reduction <add>, %mul3A_185, %reduce_sum3A_186 [1] : vector<512x256xf32> to vector<512xf32>
    %broadcast_in_dim3A_188 = vector.shape_cast %reduce_sum3A_187 : vector<512xf32> to vector<512x1xf32>
    %mul3A_189 = arith.mulf %select_n3A_183, %dot_general3A_98 : vector<512x256xf32>
    %reduce_sum3A_190 = arith.constant dense<0.000000e+00> : vector<512xf32>
    %reduce_sum3A_191 = vector.multi_reduction <add>, %mul3A_189, %reduce_sum3A_190 [1] : vector<512x256xf32> to vector<512xf32>
    %broadcast_in_dim3A_192 = vector.shape_cast %reduce_sum3A_191 : vector<512xf32> to vector<512x1xf32>
    %mul3A_193 = arith.mulf %select_n3A_183, %dot_general3A_87 : vector<512x256xf32>
    %reduce_sum3A_194 = arith.constant dense<0.000000e+00> : vector<512xf32>
    %reduce_sum3A_195 = vector.multi_reduction <add>, %mul3A_193, %reduce_sum3A_194 [1] : vector<512x256xf32> to vector<512xf32>
    %broadcast_in_dim3A_196 = vector.shape_cast %reduce_sum3A_195 : vector<512xf32> to vector<512x1xf32>
    %le3A_197 = arith.constant 4.000000e+00 : f32
    %le3A_198 = vector.broadcast %le3A_197 : f32 to vector<512x256xf32>
    %le3A_199 = arith.cmpf ole, %dot_general3A_98, %le3A_198 : vector<512x256xf32>
    %gt3A_200 = arith.constant 4.000000e+00 : f32
    %gt3A_201 = vector.broadcast %gt3A_200 : f32 to vector<512x256xf32>
    %gt3A_202 = arith.cmpf ogt, %add3A_99, %gt3A_201 : vector<512x256xf32>
    %and3A_203 = arith.andi %le3A_199, %gt3A_202 : vector<512x256xi1>
    %jit3A_204 = arith.constant 1.000000e+00 : f32
    %jit3A_205 = arith.constant 0.000000e+00 : f32
    %broadcast_in_dim3A_206 = vector.broadcast %jit3A_204 : f32 to vector<512x256xf32>
    %broadcast_in_dim3A_207 = vector.broadcast %jit3A_205 : f32 to vector<512x256xf32>
    %select_n3A_208 = arith.select %and3A_203, %broadcast_in_dim3A_206, %broadcast_in_dim3A_207 : vector<512x256xi1>, vector<512x256xf32>
    %mul3A_209 = vector.broadcast %convert_element_type3A_101 : vector<1x256xf32> to vector<512x256xf32>
    %mul3A_210 = arith.mulf %select_n3A_208, %mul3A_209 : vector<512x256xf32>
    %reduce_sum3A_211 = arith.constant dense<0.000000e+00> : vector<512xf32>
    %reduce_sum3A_212 = vector.multi_reduction <add>, %mul3A_210, %reduce_sum3A_211 [1] : vector<512x256xf32> to vector<512xf32>
    %broadcast_in_dim3A_213 = vector.shape_cast %reduce_sum3A_212 : vector<512xf32> to vector<512x1xf32>
    %mul3A_214 = arith.mulf %select_n3A_208, %dot_general3A_98 : vector<512x256xf32>
    %reduce_sum3A_215 = arith.constant dense<0.000000e+00> : vector<512xf32>
    %reduce_sum3A_216 = vector.multi_reduction <add>, %mul3A_214, %reduce_sum3A_215 [1] : vector<512x256xf32> to vector<512xf32>
    %broadcast_in_dim3A_217 = vector.shape_cast %reduce_sum3A_216 : vector<512xf32> to vector<512x1xf32>
    %mul3A_218 = arith.mulf %select_n3A_208, %dot_general3A_87 : vector<512x256xf32>
    %reduce_sum3A_219 = arith.constant dense<0.000000e+00> : vector<512xf32>
    %reduce_sum3A_220 = vector.multi_reduction <add>, %mul3A_218, %reduce_sum3A_219 [1] : vector<512x256xf32> to vector<512xf32>
    %broadcast_in_dim3A_221 = vector.shape_cast %reduce_sum3A_220 : vector<512xf32> to vector<512x1xf32>
    %le3A_222 = arith.constant 5.000000e+00 : f32
    %le3A_223 = vector.broadcast %le3A_222 : f32 to vector<512x256xf32>
    %le3A_224 = arith.cmpf ole, %dot_general3A_98, %le3A_223 : vector<512x256xf32>
    %gt3A_225 = arith.constant 5.000000e+00 : f32
    %gt3A_226 = vector.broadcast %gt3A_225 : f32 to vector<512x256xf32>
    %gt3A_227 = arith.cmpf ogt, %add3A_99, %gt3A_226 : vector<512x256xf32>
    %and3A_228 = arith.andi %le3A_224, %gt3A_227 : vector<512x256xi1>
    %jit3A_229 = arith.constant 1.000000e+00 : f32
    %jit3A_230 = arith.constant 0.000000e+00 : f32
    %broadcast_in_dim3A_231 = vector.broadcast %jit3A_229 : f32 to vector<512x256xf32>
    %broadcast_in_dim3A_232 = vector.broadcast %jit3A_230 : f32 to vector<512x256xf32>
    %select_n3A_233 = arith.select %and3A_228, %broadcast_in_dim3A_231, %broadcast_in_dim3A_232 : vector<512x256xi1>, vector<512x256xf32>
    %mul3A_234 = vector.broadcast %convert_element_type3A_101 : vector<1x256xf32> to vector<512x256xf32>
    %mul3A_235 = arith.mulf %select_n3A_233, %mul3A_234 : vector<512x256xf32>
    %reduce_sum3A_236 = arith.constant dense<0.000000e+00> : vector<512xf32>
    %reduce_sum3A_237 = vector.multi_reduction <add>, %mul3A_235, %reduce_sum3A_236 [1] : vector<512x256xf32> to vector<512xf32>
    %broadcast_in_dim3A_238 = vector.shape_cast %reduce_sum3A_237 : vector<512xf32> to vector<512x1xf32>
    %mul3A_239 = arith.mulf %select_n3A_233, %dot_general3A_98 : vector<512x256xf32>
    %reduce_sum3A_240 = arith.constant dense<0.000000e+00> : vector<512xf32>
    %reduce_sum3A_241 = vector.multi_reduction <add>, %mul3A_239, %reduce_sum3A_240 [1] : vector<512x256xf32> to vector<512xf32>
    %broadcast_in_dim3A_242 = vector.shape_cast %reduce_sum3A_241 : vector<512xf32> to vector<512x1xf32>
    %mul3A_243 = arith.mulf %select_n3A_233, %dot_general3A_87 : vector<512x256xf32>
    %reduce_sum3A_244 = arith.constant dense<0.000000e+00> : vector<512xf32>
    %reduce_sum3A_245 = vector.multi_reduction <add>, %mul3A_243, %reduce_sum3A_244 [1] : vector<512x256xf32> to vector<512xf32>
    %broadcast_in_dim3A_246 = vector.shape_cast %reduce_sum3A_245 : vector<512xf32> to vector<512x1xf32>
    %le3A_247 = arith.constant 6.000000e+00 : f32
    %le3A_248 = vector.broadcast %le3A_247 : f32 to vector<512x256xf32>
    %le3A_249 = arith.cmpf ole, %dot_general3A_98, %le3A_248 : vector<512x256xf32>
    %gt3A_250 = arith.constant 6.000000e+00 : f32
    %gt3A_251 = vector.broadcast %gt3A_250 : f32 to vector<512x256xf32>
    %gt3A_252 = arith.cmpf ogt, %add3A_99, %gt3A_251 : vector<512x256xf32>
    %and3A_253 = arith.andi %le3A_249, %gt3A_252 : vector<512x256xi1>
    %jit3A_254 = arith.constant 1.000000e+00 : f32
    %jit3A_255 = arith.constant 0.000000e+00 : f32
    %broadcast_in_dim3A_256 = vector.broadcast %jit3A_254 : f32 to vector<512x256xf32>
    %broadcast_in_dim3A_257 = vector.broadcast %jit3A_255 : f32 to vector<512x256xf32>
    %select_n3A_258 = arith.select %and3A_253, %broadcast_in_dim3A_256, %broadcast_in_dim3A_257 : vector<512x256xi1>, vector<512x256xf32>
    %mul3A_259 = vector.broadcast %convert_element_type3A_101 : vector<1x256xf32> to vector<512x256xf32>
    %mul3A_260 = arith.mulf %select_n3A_258, %mul3A_259 : vector<512x256xf32>
    %reduce_sum3A_261 = arith.constant dense<0.000000e+00> : vector<512xf32>
    %reduce_sum3A_262 = vector.multi_reduction <add>, %mul3A_260, %reduce_sum3A_261 [1] : vector<512x256xf32> to vector<512xf32>
    %broadcast_in_dim3A_263 = vector.shape_cast %reduce_sum3A_262 : vector<512xf32> to vector<512x1xf32>
    %mul3A_264 = arith.mulf %select_n3A_258, %dot_general3A_98 : vector<512x256xf32>
    %reduce_sum3A_265 = arith.constant dense<0.000000e+00> : vector<512xf32>
    %reduce_sum3A_266 = vector.multi_reduction <add>, %mul3A_264, %reduce_sum3A_265 [1] : vector<512x256xf32> to vector<512xf32>
    %broadcast_in_dim3A_267 = vector.shape_cast %reduce_sum3A_266 : vector<512xf32> to vector<512x1xf32>
    %mul3A_268 = arith.mulf %select_n3A_258, %dot_general3A_87 : vector<512x256xf32>
    %reduce_sum3A_269 = arith.constant dense<0.000000e+00> : vector<512xf32>
    %reduce_sum3A_270 = vector.multi_reduction <add>, %mul3A_268, %reduce_sum3A_269 [1] : vector<512x256xf32> to vector<512xf32>
    %broadcast_in_dim3A_271 = vector.shape_cast %reduce_sum3A_270 : vector<512xf32> to vector<512x1xf32>
    %le3A_272 = arith.constant 7.000000e+00 : f32
    %le3A_273 = vector.broadcast %le3A_272 : f32 to vector<512x256xf32>
    %le3A_274 = arith.cmpf ole, %dot_general3A_98, %le3A_273 : vector<512x256xf32>
    %gt3A_275 = arith.constant 7.000000e+00 : f32
    %gt3A_276 = vector.broadcast %gt3A_275 : f32 to vector<512x256xf32>
    %gt3A_277 = arith.cmpf ogt, %add3A_99, %gt3A_276 : vector<512x256xf32>
    %and3A_278 = arith.andi %le3A_274, %gt3A_277 : vector<512x256xi1>
    %jit3A_279 = arith.constant 1.000000e+00 : f32
    %jit3A_280 = arith.constant 0.000000e+00 : f32
    %broadcast_in_dim3A_281 = vector.broadcast %jit3A_279 : f32 to vector<512x256xf32>
    %broadcast_in_dim3A_282 = vector.broadcast %jit3A_280 : f32 to vector<512x256xf32>
    %select_n3A_283 = arith.select %and3A_278, %broadcast_in_dim3A_281, %broadcast_in_dim3A_282 : vector<512x256xi1>, vector<512x256xf32>
    %mul3A_284 = vector.broadcast %convert_element_type3A_101 : vector<1x256xf32> to vector<512x256xf32>
    %mul3A_285 = arith.mulf %select_n3A_283, %mul3A_284 : vector<512x256xf32>
    %reduce_sum3A_286 = arith.constant dense<0.000000e+00> : vector<512xf32>
    %reduce_sum3A_287 = vector.multi_reduction <add>, %mul3A_285, %reduce_sum3A_286 [1] : vector<512x256xf32> to vector<512xf32>
    %broadcast_in_dim3A_288 = vector.shape_cast %reduce_sum3A_287 : vector<512xf32> to vector<512x1xf32>
    %mul3A_289 = arith.mulf %select_n3A_283, %dot_general3A_98 : vector<512x256xf32>
    %reduce_sum3A_290 = arith.constant dense<0.000000e+00> : vector<512xf32>
    %reduce_sum3A_291 = vector.multi_reduction <add>, %mul3A_289, %reduce_sum3A_290 [1] : vector<512x256xf32> to vector<512xf32>
    %broadcast_in_dim3A_292 = vector.shape_cast %reduce_sum3A_291 : vector<512xf32> to vector<512x1xf32>
    %mul3A_293 = arith.mulf %select_n3A_283, %dot_general3A_87 : vector<512x256xf32>
    %reduce_sum3A_294 = arith.constant dense<0.000000e+00> : vector<512xf32>
    %reduce_sum3A_295 = vector.multi_reduction <add>, %mul3A_293, %reduce_sum3A_294 [1] : vector<512x256xf32> to vector<512xf32>
    %broadcast_in_dim3A_296 = vector.shape_cast %reduce_sum3A_295 : vector<512xf32> to vector<512x1xf32>
    %le3A_297 = arith.constant 8.000000e+00 : f32
    %le3A_298 = vector.broadcast %le3A_297 : f32 to vector<512x256xf32>
    %le3A_299 = arith.cmpf ole, %dot_general3A_98, %le3A_298 : vector<512x256xf32>
    %gt3A_300 = arith.constant 8.000000e+00 : f32
    %gt3A_301 = vector.broadcast %gt3A_300 : f32 to vector<512x256xf32>
    %gt3A_302 = arith.cmpf ogt, %add3A_99, %gt3A_301 : vector<512x256xf32>
    %and3A_303 = arith.andi %le3A_299, %gt3A_302 : vector<512x256xi1>
    %jit3A_304 = arith.constant 1.000000e+00 : f32
    %jit3A_305 = arith.constant 0.000000e+00 : f32
    %broadcast_in_dim3A_306 = vector.broadcast %jit3A_304 : f32 to vector<512x256xf32>
    %broadcast_in_dim3A_307 = vector.broadcast %jit3A_305 : f32 to vector<512x256xf32>
    %select_n3A_308 = arith.select %and3A_303, %broadcast_in_dim3A_306, %broadcast_in_dim3A_307 : vector<512x256xi1>, vector<512x256xf32>
    %mul3A_309 = vector.broadcast %convert_element_type3A_101 : vector<1x256xf32> to vector<512x256xf32>
    %mul3A_310 = arith.mulf %select_n3A_308, %mul3A_309 : vector<512x256xf32>
    %reduce_sum3A_311 = arith.constant dense<0.000000e+00> : vector<512xf32>
    %reduce_sum3A_312 = vector.multi_reduction <add>, %mul3A_310, %reduce_sum3A_311 [1] : vector<512x256xf32> to vector<512xf32>
    %broadcast_in_dim3A_313 = vector.shape_cast %reduce_sum3A_312 : vector<512xf32> to vector<512x1xf32>
    %mul3A_314 = arith.mulf %select_n3A_308, %dot_general3A_98 : vector<512x256xf32>
    %reduce_sum3A_315 = arith.constant dense<0.000000e+00> : vector<512xf32>
    %reduce_sum3A_316 = vector.multi_reduction <add>, %mul3A_314, %reduce_sum3A_315 [1] : vector<512x256xf32> to vector<512xf32>
    %broadcast_in_dim3A_317 = vector.shape_cast %reduce_sum3A_316 : vector<512xf32> to vector<512x1xf32>
    %mul3A_318 = arith.mulf %select_n3A_308, %dot_general3A_87 : vector<512x256xf32>
    %reduce_sum3A_319 = arith.constant dense<0.000000e+00> : vector<512xf32>
    %reduce_sum3A_320 = vector.multi_reduction <add>, %mul3A_318, %reduce_sum3A_319 [1] : vector<512x256xf32> to vector<512xf32>
    %broadcast_in_dim3A_321 = vector.shape_cast %reduce_sum3A_320 : vector<512xf32> to vector<512x1xf32>
    %le3A_322 = arith.constant 9.000000e+00 : f32
    %le3A_323 = vector.broadcast %le3A_322 : f32 to vector<512x256xf32>
    %le3A_324 = arith.cmpf ole, %dot_general3A_98, %le3A_323 : vector<512x256xf32>
    %gt3A_325 = arith.constant 9.000000e+00 : f32
    %gt3A_326 = vector.broadcast %gt3A_325 : f32 to vector<512x256xf32>
    %gt3A_327 = arith.cmpf ogt, %add3A_99, %gt3A_326 : vector<512x256xf32>
    %and3A_328 = arith.andi %le3A_324, %gt3A_327 : vector<512x256xi1>
    %jit3A_329 = arith.constant 1.000000e+00 : f32
    %jit3A_330 = arith.constant 0.000000e+00 : f32
    %broadcast_in_dim3A_331 = vector.broadcast %jit3A_329 : f32 to vector<512x256xf32>
    %broadcast_in_dim3A_332 = vector.broadcast %jit3A_330 : f32 to vector<512x256xf32>
    %select_n3A_333 = arith.select %and3A_328, %broadcast_in_dim3A_331, %broadcast_in_dim3A_332 : vector<512x256xi1>, vector<512x256xf32>
    %mul3A_334 = vector.broadcast %convert_element_type3A_101 : vector<1x256xf32> to vector<512x256xf32>
    %mul3A_335 = arith.mulf %select_n3A_333, %mul3A_334 : vector<512x256xf32>
    %reduce_sum3A_336 = arith.constant dense<0.000000e+00> : vector<512xf32>
    %reduce_sum3A_337 = vector.multi_reduction <add>, %mul3A_335, %reduce_sum3A_336 [1] : vector<512x256xf32> to vector<512xf32>
    %broadcast_in_dim3A_338 = vector.shape_cast %reduce_sum3A_337 : vector<512xf32> to vector<512x1xf32>
    %mul3A_339 = arith.mulf %select_n3A_333, %dot_general3A_98 : vector<512x256xf32>
    %reduce_sum3A_340 = arith.constant dense<0.000000e+00> : vector<512xf32>
    %reduce_sum3A_341 = vector.multi_reduction <add>, %mul3A_339, %reduce_sum3A_340 [1] : vector<512x256xf32> to vector<512xf32>
    %broadcast_in_dim3A_342 = vector.shape_cast %reduce_sum3A_341 : vector<512xf32> to vector<512x1xf32>
    %mul3A_343 = arith.mulf %select_n3A_333, %dot_general3A_87 : vector<512x256xf32>
    %reduce_sum3A_344 = arith.constant dense<0.000000e+00> : vector<512xf32>
    %reduce_sum3A_345 = vector.multi_reduction <add>, %mul3A_343, %reduce_sum3A_344 [1] : vector<512x256xf32> to vector<512xf32>
    %broadcast_in_dim3A_346 = vector.shape_cast %reduce_sum3A_345 : vector<512xf32> to vector<512x1xf32>
    %le3A_347 = arith.constant 1.000000e+01 : f32
    %le3A_348 = vector.broadcast %le3A_347 : f32 to vector<512x256xf32>
    %le3A_349 = arith.cmpf ole, %dot_general3A_98, %le3A_348 : vector<512x256xf32>
    %gt3A_350 = arith.constant 1.000000e+01 : f32
    %gt3A_351 = vector.broadcast %gt3A_350 : f32 to vector<512x256xf32>
    %gt3A_352 = arith.cmpf ogt, %add3A_99, %gt3A_351 : vector<512x256xf32>
    %and3A_353 = arith.andi %le3A_349, %gt3A_352 : vector<512x256xi1>
    %jit3A_354 = arith.constant 1.000000e+00 : f32
    %jit3A_355 = arith.constant 0.000000e+00 : f32
    %broadcast_in_dim3A_356 = vector.broadcast %jit3A_354 : f32 to vector<512x256xf32>
    %broadcast_in_dim3A_357 = vector.broadcast %jit3A_355 : f32 to vector<512x256xf32>
    %select_n3A_358 = arith.select %and3A_353, %broadcast_in_dim3A_356, %broadcast_in_dim3A_357 : vector<512x256xi1>, vector<512x256xf32>
    %mul3A_359 = vector.broadcast %convert_element_type3A_101 : vector<1x256xf32> to vector<512x256xf32>
    %mul3A_360 = arith.mulf %select_n3A_358, %mul3A_359 : vector<512x256xf32>
    %reduce_sum3A_361 = arith.constant dense<0.000000e+00> : vector<512xf32>
    %reduce_sum3A_362 = vector.multi_reduction <add>, %mul3A_360, %reduce_sum3A_361 [1] : vector<512x256xf32> to vector<512xf32>
    %broadcast_in_dim3A_363 = vector.shape_cast %reduce_sum3A_362 : vector<512xf32> to vector<512x1xf32>
    %mul3A_364 = arith.mulf %select_n3A_358, %dot_general3A_98 : vector<512x256xf32>
    %reduce_sum3A_365 = arith.constant dense<0.000000e+00> : vector<512xf32>
    %reduce_sum3A_366 = vector.multi_reduction <add>, %mul3A_364, %reduce_sum3A_365 [1] : vector<512x256xf32> to vector<512xf32>
    %broadcast_in_dim3A_367 = vector.shape_cast %reduce_sum3A_366 : vector<512xf32> to vector<512x1xf32>
    %mul3A_368 = arith.mulf %select_n3A_358, %dot_general3A_87 : vector<512x256xf32>
    %reduce_sum3A_369 = arith.constant dense<0.000000e+00> : vector<512xf32>
    %reduce_sum3A_370 = vector.multi_reduction <add>, %mul3A_368, %reduce_sum3A_369 [1] : vector<512x256xf32> to vector<512xf32>
    %broadcast_in_dim3A_371 = vector.shape_cast %reduce_sum3A_370 : vector<512xf32> to vector<512x1xf32>
    %le3A_372 = arith.constant 1.100000e+01 : f32
    %le3A_373 = vector.broadcast %le3A_372 : f32 to vector<512x256xf32>
    %le3A_374 = arith.cmpf ole, %dot_general3A_98, %le3A_373 : vector<512x256xf32>
    %gt3A_375 = arith.constant 1.100000e+01 : f32
    %gt3A_376 = vector.broadcast %gt3A_375 : f32 to vector<512x256xf32>
    %gt3A_377 = arith.cmpf ogt, %add3A_99, %gt3A_376 : vector<512x256xf32>
    %and3A_378 = arith.andi %le3A_374, %gt3A_377 : vector<512x256xi1>
    %jit3A_379 = arith.constant 1.000000e+00 : f32
    %jit3A_380 = arith.constant 0.000000e+00 : f32
    %broadcast_in_dim3A_381 = vector.broadcast %jit3A_379 : f32 to vector<512x256xf32>
    %broadcast_in_dim3A_382 = vector.broadcast %jit3A_380 : f32 to vector<512x256xf32>
    %select_n3A_383 = arith.select %and3A_378, %broadcast_in_dim3A_381, %broadcast_in_dim3A_382 : vector<512x256xi1>, vector<512x256xf32>
    %mul3A_384 = vector.broadcast %convert_element_type3A_101 : vector<1x256xf32> to vector<512x256xf32>
    %mul3A_385 = arith.mulf %select_n3A_383, %mul3A_384 : vector<512x256xf32>
    %reduce_sum3A_386 = arith.constant dense<0.000000e+00> : vector<512xf32>
    %reduce_sum3A_387 = vector.multi_reduction <add>, %mul3A_385, %reduce_sum3A_386 [1] : vector<512x256xf32> to vector<512xf32>
    %broadcast_in_dim3A_388 = vector.shape_cast %reduce_sum3A_387 : vector<512xf32> to vector<512x1xf32>
    %mul3A_389 = arith.mulf %select_n3A_383, %dot_general3A_98 : vector<512x256xf32>
    %reduce_sum3A_390 = arith.constant dense<0.000000e+00> : vector<512xf32>
    %reduce_sum3A_391 = vector.multi_reduction <add>, %mul3A_389, %reduce_sum3A_390 [1] : vector<512x256xf32> to vector<512xf32>
    %broadcast_in_dim3A_392 = vector.shape_cast %reduce_sum3A_391 : vector<512xf32> to vector<512x1xf32>
    %mul3A_393 = arith.mulf %select_n3A_383, %dot_general3A_87 : vector<512x256xf32>
    %reduce_sum3A_394 = arith.constant dense<0.000000e+00> : vector<512xf32>
    %reduce_sum3A_395 = vector.multi_reduction <add>, %mul3A_393, %reduce_sum3A_394 [1] : vector<512x256xf32> to vector<512xf32>
    %broadcast_in_dim3A_396 = vector.shape_cast %reduce_sum3A_395 : vector<512xf32> to vector<512x1xf32>
    %le3A_397 = arith.constant 1.200000e+01 : f32
    %le3A_398 = vector.broadcast %le3A_397 : f32 to vector<512x256xf32>
    %le3A_399 = arith.cmpf ole, %dot_general3A_98, %le3A_398 : vector<512x256xf32>
    %gt3A_400 = arith.constant 1.200000e+01 : f32
    %gt3A_401 = vector.broadcast %gt3A_400 : f32 to vector<512x256xf32>
    %gt3A_402 = arith.cmpf ogt, %add3A_99, %gt3A_401 : vector<512x256xf32>
    %and3A_403 = arith.andi %le3A_399, %gt3A_402 : vector<512x256xi1>
    %jit3A_404 = arith.constant 1.000000e+00 : f32
    %jit3A_405 = arith.constant 0.000000e+00 : f32
    %broadcast_in_dim3A_406 = vector.broadcast %jit3A_404 : f32 to vector<512x256xf32>
    %broadcast_in_dim3A_407 = vector.broadcast %jit3A_405 : f32 to vector<512x256xf32>
    %select_n3A_408 = arith.select %and3A_403, %broadcast_in_dim3A_406, %broadcast_in_dim3A_407 : vector<512x256xi1>, vector<512x256xf32>
    %mul3A_409 = vector.broadcast %convert_element_type3A_101 : vector<1x256xf32> to vector<512x256xf32>
    %mul3A_410 = arith.mulf %select_n3A_408, %mul3A_409 : vector<512x256xf32>
    %reduce_sum3A_411 = arith.constant dense<0.000000e+00> : vector<512xf32>
    %reduce_sum3A_412 = vector.multi_reduction <add>, %mul3A_410, %reduce_sum3A_411 [1] : vector<512x256xf32> to vector<512xf32>
    %broadcast_in_dim3A_413 = vector.shape_cast %reduce_sum3A_412 : vector<512xf32> to vector<512x1xf32>
    %mul3A_414 = arith.mulf %select_n3A_408, %dot_general3A_98 : vector<512x256xf32>
    %reduce_sum3A_415 = arith.constant dense<0.000000e+00> : vector<512xf32>
    %reduce_sum3A_416 = vector.multi_reduction <add>, %mul3A_414, %reduce_sum3A_415 [1] : vector<512x256xf32> to vector<512xf32>
    %broadcast_in_dim3A_417 = vector.shape_cast %reduce_sum3A_416 : vector<512xf32> to vector<512x1xf32>
    %mul3A_418 = arith.mulf %select_n3A_408, %dot_general3A_87 : vector<512x256xf32>
    %reduce_sum3A_419 = arith.constant dense<0.000000e+00> : vector<512xf32>
    %reduce_sum3A_420 = vector.multi_reduction <add>, %mul3A_418, %reduce_sum3A_419 [1] : vector<512x256xf32> to vector<512xf32>
    %broadcast_in_dim3A_421 = vector.shape_cast %reduce_sum3A_420 : vector<512xf32> to vector<512x1xf32>
    %le3A_422 = arith.constant 1.300000e+01 : f32
    %le3A_423 = vector.broadcast %le3A_422 : f32 to vector<512x256xf32>
    %le3A_424 = arith.cmpf ole, %dot_general3A_98, %le3A_423 : vector<512x256xf32>
    %gt3A_425 = arith.constant 1.300000e+01 : f32
    %gt3A_426 = vector.broadcast %gt3A_425 : f32 to vector<512x256xf32>
    %gt3A_427 = arith.cmpf ogt, %add3A_99, %gt3A_426 : vector<512x256xf32>
    %and3A_428 = arith.andi %le3A_424, %gt3A_427 : vector<512x256xi1>
    %jit3A_429 = arith.constant 1.000000e+00 : f32
    %jit3A_430 = arith.constant 0.000000e+00 : f32
    %broadcast_in_dim3A_431 = vector.broadcast %jit3A_429 : f32 to vector<512x256xf32>
    %broadcast_in_dim3A_432 = vector.broadcast %jit3A_430 : f32 to vector<512x256xf32>
    %select_n3A_433 = arith.select %and3A_428, %broadcast_in_dim3A_431, %broadcast_in_dim3A_432 : vector<512x256xi1>, vector<512x256xf32>
    %mul3A_434 = vector.broadcast %convert_element_type3A_101 : vector<1x256xf32> to vector<512x256xf32>
    %mul3A_435 = arith.mulf %select_n3A_433, %mul3A_434 : vector<512x256xf32>
    %reduce_sum3A_436 = arith.constant dense<0.000000e+00> : vector<512xf32>
    %reduce_sum3A_437 = vector.multi_reduction <add>, %mul3A_435, %reduce_sum3A_436 [1] : vector<512x256xf32> to vector<512xf32>
    %broadcast_in_dim3A_438 = vector.shape_cast %reduce_sum3A_437 : vector<512xf32> to vector<512x1xf32>
    %mul3A_439 = arith.mulf %select_n3A_433, %dot_general3A_98 : vector<512x256xf32>
    %reduce_sum3A_440 = arith.constant dense<0.000000e+00> : vector<512xf32>
    %reduce_sum3A_441 = vector.multi_reduction <add>, %mul3A_439, %reduce_sum3A_440 [1] : vector<512x256xf32> to vector<512xf32>
    %broadcast_in_dim3A_442 = vector.shape_cast %reduce_sum3A_441 : vector<512xf32> to vector<512x1xf32>
    %mul3A_443 = arith.mulf %select_n3A_433, %dot_general3A_87 : vector<512x256xf32>
    %reduce_sum3A_444 = arith.constant dense<0.000000e+00> : vector<512xf32>
    %reduce_sum3A_445 = vector.multi_reduction <add>, %mul3A_443, %reduce_sum3A_444 [1] : vector<512x256xf32> to vector<512xf32>
    %broadcast_in_dim3A_446 = vector.shape_cast %reduce_sum3A_445 : vector<512xf32> to vector<512x1xf32>
    %le3A_447 = arith.constant 1.400000e+01 : f32
    %le3A_448 = vector.broadcast %le3A_447 : f32 to vector<512x256xf32>
    %le3A_449 = arith.cmpf ole, %dot_general3A_98, %le3A_448 : vector<512x256xf32>
    %gt3A_450 = arith.constant 1.400000e+01 : f32
    %gt3A_451 = vector.broadcast %gt3A_450 : f32 to vector<512x256xf32>
    %gt3A_452 = arith.cmpf ogt, %add3A_99, %gt3A_451 : vector<512x256xf32>
    %and3A_453 = arith.andi %le3A_449, %gt3A_452 : vector<512x256xi1>
    %jit3A_454 = arith.constant 1.000000e+00 : f32
    %jit3A_455 = arith.constant 0.000000e+00 : f32
    %broadcast_in_dim3A_456 = vector.broadcast %jit3A_454 : f32 to vector<512x256xf32>
    %broadcast_in_dim3A_457 = vector.broadcast %jit3A_455 : f32 to vector<512x256xf32>
    %select_n3A_458 = arith.select %and3A_453, %broadcast_in_dim3A_456, %broadcast_in_dim3A_457 : vector<512x256xi1>, vector<512x256xf32>
    %mul3A_459 = vector.broadcast %convert_element_type3A_101 : vector<1x256xf32> to vector<512x256xf32>
    %mul3A_460 = arith.mulf %select_n3A_458, %mul3A_459 : vector<512x256xf32>
    %reduce_sum3A_461 = arith.constant dense<0.000000e+00> : vector<512xf32>
    %reduce_sum3A_462 = vector.multi_reduction <add>, %mul3A_460, %reduce_sum3A_461 [1] : vector<512x256xf32> to vector<512xf32>
    %broadcast_in_dim3A_463 = vector.shape_cast %reduce_sum3A_462 : vector<512xf32> to vector<512x1xf32>
    %mul3A_464 = arith.mulf %select_n3A_458, %dot_general3A_98 : vector<512x256xf32>
    %reduce_sum3A_465 = arith.constant dense<0.000000e+00> : vector<512xf32>
    %reduce_sum3A_466 = vector.multi_reduction <add>, %mul3A_464, %reduce_sum3A_465 [1] : vector<512x256xf32> to vector<512xf32>
    %broadcast_in_dim3A_467 = vector.shape_cast %reduce_sum3A_466 : vector<512xf32> to vector<512x1xf32>
    %mul3A_468 = arith.mulf %select_n3A_458, %dot_general3A_87 : vector<512x256xf32>
    %reduce_sum3A_469 = arith.constant dense<0.000000e+00> : vector<512xf32>
    %reduce_sum3A_470 = vector.multi_reduction <add>, %mul3A_468, %reduce_sum3A_469 [1] : vector<512x256xf32> to vector<512xf32>
    %broadcast_in_dim3A_471 = vector.shape_cast %reduce_sum3A_470 : vector<512xf32> to vector<512x1xf32>
    %le3A_472 = arith.constant 1.500000e+01 : f32
    %le3A_473 = vector.broadcast %le3A_472 : f32 to vector<512x256xf32>
    %le3A_474 = arith.cmpf ole, %dot_general3A_98, %le3A_473 : vector<512x256xf32>
    %gt3A_475 = arith.constant 1.500000e+01 : f32
    %gt3A_476 = vector.broadcast %gt3A_475 : f32 to vector<512x256xf32>
    %gt3A_477 = arith.cmpf ogt, %add3A_99, %gt3A_476 : vector<512x256xf32>
    %and3A_478 = arith.andi %le3A_474, %gt3A_477 : vector<512x256xi1>
    %jit3A_479 = arith.constant 1.000000e+00 : f32
    %jit3A_480 = arith.constant 0.000000e+00 : f32
    %broadcast_in_dim3A_481 = vector.broadcast %jit3A_479 : f32 to vector<512x256xf32>
    %broadcast_in_dim3A_482 = vector.broadcast %jit3A_480 : f32 to vector<512x256xf32>
    %select_n3A_483 = arith.select %and3A_478, %broadcast_in_dim3A_481, %broadcast_in_dim3A_482 : vector<512x256xi1>, vector<512x256xf32>
    %mul3A_484 = vector.broadcast %convert_element_type3A_101 : vector<1x256xf32> to vector<512x256xf32>
    %mul3A_485 = arith.mulf %select_n3A_483, %mul3A_484 : vector<512x256xf32>
    %reduce_sum3A_486 = arith.constant dense<0.000000e+00> : vector<512xf32>
    %reduce_sum3A_487 = vector.multi_reduction <add>, %mul3A_485, %reduce_sum3A_486 [1] : vector<512x256xf32> to vector<512xf32>
    %broadcast_in_dim3A_488 = vector.shape_cast %reduce_sum3A_487 : vector<512xf32> to vector<512x1xf32>
    %mul3A_489 = arith.mulf %select_n3A_483, %dot_general3A_98 : vector<512x256xf32>
    %reduce_sum3A_490 = arith.constant dense<0.000000e+00> : vector<512xf32>
    %reduce_sum3A_491 = vector.multi_reduction <add>, %mul3A_489, %reduce_sum3A_490 [1] : vector<512x256xf32> to vector<512xf32>
    %broadcast_in_dim3A_492 = vector.shape_cast %reduce_sum3A_491 : vector<512xf32> to vector<512x1xf32>
    %mul3A_493 = arith.mulf %select_n3A_483, %dot_general3A_87 : vector<512x256xf32>
    %reduce_sum3A_494 = arith.constant dense<0.000000e+00> : vector<512xf32>
    %reduce_sum3A_495 = vector.multi_reduction <add>, %mul3A_493, %reduce_sum3A_494 [1] : vector<512x256xf32> to vector<512xf32>
    %broadcast_in_dim3A_496 = vector.shape_cast %reduce_sum3A_495 : vector<512xf32> to vector<512x1xf32>
    %le3A_497 = arith.constant 1.600000e+01 : f32
    %le3A_498 = vector.broadcast %le3A_497 : f32 to vector<512x256xf32>
    %le3A_499 = arith.cmpf ole, %dot_general3A_98, %le3A_498 : vector<512x256xf32>
    %gt3A_500 = arith.constant 1.600000e+01 : f32
    %gt3A_501 = vector.broadcast %gt3A_500 : f32 to vector<512x256xf32>
    %gt3A_502 = arith.cmpf ogt, %add3A_99, %gt3A_501 : vector<512x256xf32>
    %and3A_503 = arith.andi %le3A_499, %gt3A_502 : vector<512x256xi1>
    %jit3A_504 = arith.constant 1.000000e+00 : f32
    %jit3A_505 = arith.constant 0.000000e+00 : f32
    %broadcast_in_dim3A_506 = vector.broadcast %jit3A_504 : f32 to vector<512x256xf32>
    %broadcast_in_dim3A_507 = vector.broadcast %jit3A_505 : f32 to vector<512x256xf32>
    %select_n3A_508 = arith.select %and3A_503, %broadcast_in_dim3A_506, %broadcast_in_dim3A_507 : vector<512x256xi1>, vector<512x256xf32>
    %mul3A_509 = vector.broadcast %convert_element_type3A_101 : vector<1x256xf32> to vector<512x256xf32>
    %mul3A_510 = arith.mulf %select_n3A_508, %mul3A_509 : vector<512x256xf32>
    %reduce_sum3A_511 = arith.constant dense<0.000000e+00> : vector<512xf32>
    %reduce_sum3A_512 = vector.multi_reduction <add>, %mul3A_510, %reduce_sum3A_511 [1] : vector<512x256xf32> to vector<512xf32>
    %broadcast_in_dim3A_513 = vector.shape_cast %reduce_sum3A_512 : vector<512xf32> to vector<512x1xf32>
    %mul3A_514 = arith.mulf %select_n3A_508, %dot_general3A_98 : vector<512x256xf32>
    %reduce_sum3A_515 = arith.constant dense<0.000000e+00> : vector<512xf32>
    %reduce_sum3A_516 = vector.multi_reduction <add>, %mul3A_514, %reduce_sum3A_515 [1] : vector<512x256xf32> to vector<512xf32>
    %broadcast_in_dim3A_517 = vector.shape_cast %reduce_sum3A_516 : vector<512xf32> to vector<512x1xf32>
    %mul3A_518 = arith.mulf %select_n3A_508, %dot_general3A_87 : vector<512x256xf32>
    %reduce_sum3A_519 = arith.constant dense<0.000000e+00> : vector<512xf32>
    %reduce_sum3A_520 = vector.multi_reduction <add>, %mul3A_518, %reduce_sum3A_519 [1] : vector<512x256xf32> to vector<512xf32>
    %broadcast_in_dim3A_521 = vector.shape_cast %reduce_sum3A_520 : vector<512xf32> to vector<512x1xf32>
    %le3A_522 = arith.constant 1.700000e+01 : f32
    %le3A_523 = vector.broadcast %le3A_522 : f32 to vector<512x256xf32>
    %le3A_524 = arith.cmpf ole, %dot_general3A_98, %le3A_523 : vector<512x256xf32>
    %gt3A_525 = arith.constant 1.700000e+01 : f32
    %gt3A_526 = vector.broadcast %gt3A_525 : f32 to vector<512x256xf32>
    %gt3A_527 = arith.cmpf ogt, %add3A_99, %gt3A_526 : vector<512x256xf32>
    %and3A_528 = arith.andi %le3A_524, %gt3A_527 : vector<512x256xi1>
    %jit3A_529 = arith.constant 1.000000e+00 : f32
    %jit3A_530 = arith.constant 0.000000e+00 : f32
    %broadcast_in_dim3A_531 = vector.broadcast %jit3A_529 : f32 to vector<512x256xf32>
    %broadcast_in_dim3A_532 = vector.broadcast %jit3A_530 : f32 to vector<512x256xf32>
    %select_n3A_533 = arith.select %and3A_528, %broadcast_in_dim3A_531, %broadcast_in_dim3A_532 : vector<512x256xi1>, vector<512x256xf32>
    %mul3A_534 = vector.broadcast %convert_element_type3A_101 : vector<1x256xf32> to vector<512x256xf32>
    %mul3A_535 = arith.mulf %select_n3A_533, %mul3A_534 : vector<512x256xf32>
    %reduce_sum3A_536 = arith.constant dense<0.000000e+00> : vector<512xf32>
    %reduce_sum3A_537 = vector.multi_reduction <add>, %mul3A_535, %reduce_sum3A_536 [1] : vector<512x256xf32> to vector<512xf32>
    %broadcast_in_dim3A_538 = vector.shape_cast %reduce_sum3A_537 : vector<512xf32> to vector<512x1xf32>
    %mul3A_539 = arith.mulf %select_n3A_533, %dot_general3A_98 : vector<512x256xf32>
    %reduce_sum3A_540 = arith.constant dense<0.000000e+00> : vector<512xf32>
    %reduce_sum3A_541 = vector.multi_reduction <add>, %mul3A_539, %reduce_sum3A_540 [1] : vector<512x256xf32> to vector<512xf32>
    %broadcast_in_dim3A_542 = vector.shape_cast %reduce_sum3A_541 : vector<512xf32> to vector<512x1xf32>
    %mul3A_543 = arith.mulf %select_n3A_533, %dot_general3A_87 : vector<512x256xf32>
    %reduce_sum3A_544 = arith.constant dense<0.000000e+00> : vector<512xf32>
    %reduce_sum3A_545 = vector.multi_reduction <add>, %mul3A_543, %reduce_sum3A_544 [1] : vector<512x256xf32> to vector<512xf32>
    %broadcast_in_dim3A_546 = vector.shape_cast %reduce_sum3A_545 : vector<512xf32> to vector<512x1xf32>
    %le3A_547 = arith.constant 1.800000e+01 : f32
    %le3A_548 = vector.broadcast %le3A_547 : f32 to vector<512x256xf32>
    %le3A_549 = arith.cmpf ole, %dot_general3A_98, %le3A_548 : vector<512x256xf32>
    %gt3A_550 = arith.constant 1.800000e+01 : f32
    %gt3A_551 = vector.broadcast %gt3A_550 : f32 to vector<512x256xf32>
    %gt3A_552 = arith.cmpf ogt, %add3A_99, %gt3A_551 : vector<512x256xf32>
    %and3A_553 = arith.andi %le3A_549, %gt3A_552 : vector<512x256xi1>
    %jit3A_554 = arith.constant 1.000000e+00 : f32
    %jit3A_555 = arith.constant 0.000000e+00 : f32
    %broadcast_in_dim3A_556 = vector.broadcast %jit3A_554 : f32 to vector<512x256xf32>
    %broadcast_in_dim3A_557 = vector.broadcast %jit3A_555 : f32 to vector<512x256xf32>
    %select_n3A_558 = arith.select %and3A_553, %broadcast_in_dim3A_556, %broadcast_in_dim3A_557 : vector<512x256xi1>, vector<512x256xf32>
    %mul3A_559 = vector.broadcast %convert_element_type3A_101 : vector<1x256xf32> to vector<512x256xf32>
    %mul3A_560 = arith.mulf %select_n3A_558, %mul3A_559 : vector<512x256xf32>
    %reduce_sum3A_561 = arith.constant dense<0.000000e+00> : vector<512xf32>
    %reduce_sum3A_562 = vector.multi_reduction <add>, %mul3A_560, %reduce_sum3A_561 [1] : vector<512x256xf32> to vector<512xf32>
    %broadcast_in_dim3A_563 = vector.shape_cast %reduce_sum3A_562 : vector<512xf32> to vector<512x1xf32>
    %mul3A_564 = arith.mulf %select_n3A_558, %dot_general3A_98 : vector<512x256xf32>
    %reduce_sum3A_565 = arith.constant dense<0.000000e+00> : vector<512xf32>
    %reduce_sum3A_566 = vector.multi_reduction <add>, %mul3A_564, %reduce_sum3A_565 [1] : vector<512x256xf32> to vector<512xf32>
    %broadcast_in_dim3A_567 = vector.shape_cast %reduce_sum3A_566 : vector<512xf32> to vector<512x1xf32>
    %mul3A_568 = arith.mulf %select_n3A_558, %dot_general3A_87 : vector<512x256xf32>
    %reduce_sum3A_569 = arith.constant dense<0.000000e+00> : vector<512xf32>
    %reduce_sum3A_570 = vector.multi_reduction <add>, %mul3A_568, %reduce_sum3A_569 [1] : vector<512x256xf32> to vector<512xf32>
    %broadcast_in_dim3A_571 = vector.shape_cast %reduce_sum3A_570 : vector<512xf32> to vector<512x1xf32>
    %le3A_572 = arith.constant 1.900000e+01 : f32
    %le3A_573 = vector.broadcast %le3A_572 : f32 to vector<512x256xf32>
    %le3A_574 = arith.cmpf ole, %dot_general3A_98, %le3A_573 : vector<512x256xf32>
    %gt3A_575 = arith.constant 1.900000e+01 : f32
    %gt3A_576 = vector.broadcast %gt3A_575 : f32 to vector<512x256xf32>
    %gt3A_577 = arith.cmpf ogt, %add3A_99, %gt3A_576 : vector<512x256xf32>
    %and3A_578 = arith.andi %le3A_574, %gt3A_577 : vector<512x256xi1>
    %jit3A_579 = arith.constant 1.000000e+00 : f32
    %jit3A_580 = arith.constant 0.000000e+00 : f32
    %broadcast_in_dim3A_581 = vector.broadcast %jit3A_579 : f32 to vector<512x256xf32>
    %broadcast_in_dim3A_582 = vector.broadcast %jit3A_580 : f32 to vector<512x256xf32>
    %select_n3A_583 = arith.select %and3A_578, %broadcast_in_dim3A_581, %broadcast_in_dim3A_582 : vector<512x256xi1>, vector<512x256xf32>
    %mul3A_584 = vector.broadcast %convert_element_type3A_101 : vector<1x256xf32> to vector<512x256xf32>
    %mul3A_585 = arith.mulf %select_n3A_583, %mul3A_584 : vector<512x256xf32>
    %reduce_sum3A_586 = arith.constant dense<0.000000e+00> : vector<512xf32>
    %reduce_sum3A_587 = vector.multi_reduction <add>, %mul3A_585, %reduce_sum3A_586 [1] : vector<512x256xf32> to vector<512xf32>
    %broadcast_in_dim3A_588 = vector.shape_cast %reduce_sum3A_587 : vector<512xf32> to vector<512x1xf32>
    %mul3A_589 = arith.mulf %select_n3A_583, %dot_general3A_98 : vector<512x256xf32>
    %reduce_sum3A_590 = arith.constant dense<0.000000e+00> : vector<512xf32>
    %reduce_sum3A_591 = vector.multi_reduction <add>, %mul3A_589, %reduce_sum3A_590 [1] : vector<512x256xf32> to vector<512xf32>
    %broadcast_in_dim3A_592 = vector.shape_cast %reduce_sum3A_591 : vector<512xf32> to vector<512x1xf32>
    %mul3A_593 = arith.mulf %select_n3A_583, %dot_general3A_87 : vector<512x256xf32>
    %reduce_sum3A_594 = arith.constant dense<0.000000e+00> : vector<512xf32>
    %reduce_sum3A_595 = vector.multi_reduction <add>, %mul3A_593, %reduce_sum3A_594 [1] : vector<512x256xf32> to vector<512xf32>
    %broadcast_in_dim3A_596 = vector.shape_cast %reduce_sum3A_595 : vector<512xf32> to vector<512x1xf32>
    %le3A_597 = arith.constant 2.000000e+01 : f32
    %le3A_598 = vector.broadcast %le3A_597 : f32 to vector<512x256xf32>
    %le3A_599 = arith.cmpf ole, %dot_general3A_98, %le3A_598 : vector<512x256xf32>
    %gt3A_600 = arith.constant 2.000000e+01 : f32
    %gt3A_601 = vector.broadcast %gt3A_600 : f32 to vector<512x256xf32>
    %gt3A_602 = arith.cmpf ogt, %add3A_99, %gt3A_601 : vector<512x256xf32>
    %and3A_603 = arith.andi %le3A_599, %gt3A_602 : vector<512x256xi1>
    %jit3A_604 = arith.constant 1.000000e+00 : f32
    %jit3A_605 = arith.constant 0.000000e+00 : f32
    %broadcast_in_dim3A_606 = vector.broadcast %jit3A_604 : f32 to vector<512x256xf32>
    %broadcast_in_dim3A_607 = vector.broadcast %jit3A_605 : f32 to vector<512x256xf32>
    %select_n3A_608 = arith.select %and3A_603, %broadcast_in_dim3A_606, %broadcast_in_dim3A_607 : vector<512x256xi1>, vector<512x256xf32>
    %mul3A_609 = vector.broadcast %convert_element_type3A_101 : vector<1x256xf32> to vector<512x256xf32>
    %mul3A_610 = arith.mulf %select_n3A_608, %mul3A_609 : vector<512x256xf32>
    %reduce_sum3A_611 = arith.constant dense<0.000000e+00> : vector<512xf32>
    %reduce_sum3A_612 = vector.multi_reduction <add>, %mul3A_610, %reduce_sum3A_611 [1] : vector<512x256xf32> to vector<512xf32>
    %broadcast_in_dim3A_613 = vector.shape_cast %reduce_sum3A_612 : vector<512xf32> to vector<512x1xf32>
    %mul3A_614 = arith.mulf %select_n3A_608, %dot_general3A_98 : vector<512x256xf32>
    %reduce_sum3A_615 = arith.constant dense<0.000000e+00> : vector<512xf32>
    %reduce_sum3A_616 = vector.multi_reduction <add>, %mul3A_614, %reduce_sum3A_615 [1] : vector<512x256xf32> to vector<512xf32>
    %broadcast_in_dim3A_617 = vector.shape_cast %reduce_sum3A_616 : vector<512xf32> to vector<512x1xf32>
    %mul3A_618 = arith.mulf %select_n3A_608, %dot_general3A_87 : vector<512x256xf32>
    %reduce_sum3A_619 = arith.constant dense<0.000000e+00> : vector<512xf32>
    %reduce_sum3A_620 = vector.multi_reduction <add>, %mul3A_618, %reduce_sum3A_619 [1] : vector<512x256xf32> to vector<512xf32>
    %broadcast_in_dim3A_621 = vector.shape_cast %reduce_sum3A_620 : vector<512xf32> to vector<512x1xf32>
    %le3A_622 = arith.constant 2.100000e+01 : f32
    %le3A_623 = vector.broadcast %le3A_622 : f32 to vector<512x256xf32>
    %le3A_624 = arith.cmpf ole, %dot_general3A_98, %le3A_623 : vector<512x256xf32>
    %gt3A_625 = arith.constant 2.100000e+01 : f32
    %gt3A_626 = vector.broadcast %gt3A_625 : f32 to vector<512x256xf32>
    %gt3A_627 = arith.cmpf ogt, %add3A_99, %gt3A_626 : vector<512x256xf32>
    %and3A_628 = arith.andi %le3A_624, %gt3A_627 : vector<512x256xi1>
    %jit3A_629 = arith.constant 1.000000e+00 : f32
    %jit3A_630 = arith.constant 0.000000e+00 : f32
    %broadcast_in_dim3A_631 = vector.broadcast %jit3A_629 : f32 to vector<512x256xf32>
    %broadcast_in_dim3A_632 = vector.broadcast %jit3A_630 : f32 to vector<512x256xf32>
    %select_n3A_633 = arith.select %and3A_628, %broadcast_in_dim3A_631, %broadcast_in_dim3A_632 : vector<512x256xi1>, vector<512x256xf32>
    %mul3A_634 = vector.broadcast %convert_element_type3A_101 : vector<1x256xf32> to vector<512x256xf32>
    %mul3A_635 = arith.mulf %select_n3A_633, %mul3A_634 : vector<512x256xf32>
    %reduce_sum3A_636 = arith.constant dense<0.000000e+00> : vector<512xf32>
    %reduce_sum3A_637 = vector.multi_reduction <add>, %mul3A_635, %reduce_sum3A_636 [1] : vector<512x256xf32> to vector<512xf32>
    %broadcast_in_dim3A_638 = vector.shape_cast %reduce_sum3A_637 : vector<512xf32> to vector<512x1xf32>
    %mul3A_639 = arith.mulf %select_n3A_633, %dot_general3A_98 : vector<512x256xf32>
    %reduce_sum3A_640 = arith.constant dense<0.000000e+00> : vector<512xf32>
    %reduce_sum3A_641 = vector.multi_reduction <add>, %mul3A_639, %reduce_sum3A_640 [1] : vector<512x256xf32> to vector<512xf32>
    %broadcast_in_dim3A_642 = vector.shape_cast %reduce_sum3A_641 : vector<512xf32> to vector<512x1xf32>
    %mul3A_643 = arith.mulf %select_n3A_633, %dot_general3A_87 : vector<512x256xf32>
    %reduce_sum3A_644 = arith.constant dense<0.000000e+00> : vector<512xf32>
    %reduce_sum3A_645 = vector.multi_reduction <add>, %mul3A_643, %reduce_sum3A_644 [1] : vector<512x256xf32> to vector<512xf32>
    %broadcast_in_dim3A_646 = vector.shape_cast %reduce_sum3A_645 : vector<512xf32> to vector<512x1xf32>
    %le3A_647 = arith.constant 2.200000e+01 : f32
    %le3A_648 = vector.broadcast %le3A_647 : f32 to vector<512x256xf32>
    %le3A_649 = arith.cmpf ole, %dot_general3A_98, %le3A_648 : vector<512x256xf32>
    %gt3A_650 = arith.constant 2.200000e+01 : f32
    %gt3A_651 = vector.broadcast %gt3A_650 : f32 to vector<512x256xf32>
    %gt3A_652 = arith.cmpf ogt, %add3A_99, %gt3A_651 : vector<512x256xf32>
    %and3A_653 = arith.andi %le3A_649, %gt3A_652 : vector<512x256xi1>
    %jit3A_654 = arith.constant 1.000000e+00 : f32
    %jit3A_655 = arith.constant 0.000000e+00 : f32
    %broadcast_in_dim3A_656 = vector.broadcast %jit3A_654 : f32 to vector<512x256xf32>
    %broadcast_in_dim3A_657 = vector.broadcast %jit3A_655 : f32 to vector<512x256xf32>
    %select_n3A_658 = arith.select %and3A_653, %broadcast_in_dim3A_656, %broadcast_in_dim3A_657 : vector<512x256xi1>, vector<512x256xf32>
    %mul3A_659 = vector.broadcast %convert_element_type3A_101 : vector<1x256xf32> to vector<512x256xf32>
    %mul3A_660 = arith.mulf %select_n3A_658, %mul3A_659 : vector<512x256xf32>
    %reduce_sum3A_661 = arith.constant dense<0.000000e+00> : vector<512xf32>
    %reduce_sum3A_662 = vector.multi_reduction <add>, %mul3A_660, %reduce_sum3A_661 [1] : vector<512x256xf32> to vector<512xf32>
    %broadcast_in_dim3A_663 = vector.shape_cast %reduce_sum3A_662 : vector<512xf32> to vector<512x1xf32>
    %mul3A_664 = arith.mulf %select_n3A_658, %dot_general3A_98 : vector<512x256xf32>
    %reduce_sum3A_665 = arith.constant dense<0.000000e+00> : vector<512xf32>
    %reduce_sum3A_666 = vector.multi_reduction <add>, %mul3A_664, %reduce_sum3A_665 [1] : vector<512x256xf32> to vector<512xf32>
    %broadcast_in_dim3A_667 = vector.shape_cast %reduce_sum3A_666 : vector<512xf32> to vector<512x1xf32>
    %mul3A_668 = arith.mulf %select_n3A_658, %dot_general3A_87 : vector<512x256xf32>
    %reduce_sum3A_669 = arith.constant dense<0.000000e+00> : vector<512xf32>
    %reduce_sum3A_670 = vector.multi_reduction <add>, %mul3A_668, %reduce_sum3A_669 [1] : vector<512x256xf32> to vector<512xf32>
    %broadcast_in_dim3A_671 = vector.shape_cast %reduce_sum3A_670 : vector<512xf32> to vector<512x1xf32>
    %le3A_672 = arith.constant 2.300000e+01 : f32
    %le3A_673 = vector.broadcast %le3A_672 : f32 to vector<512x256xf32>
    %le3A_674 = arith.cmpf ole, %dot_general3A_98, %le3A_673 : vector<512x256xf32>
    %gt3A_675 = arith.constant 2.300000e+01 : f32
    %gt3A_676 = vector.broadcast %gt3A_675 : f32 to vector<512x256xf32>
    %gt3A_677 = arith.cmpf ogt, %add3A_99, %gt3A_676 : vector<512x256xf32>
    %and3A_678 = arith.andi %le3A_674, %gt3A_677 : vector<512x256xi1>
    %jit3A_679 = arith.constant 1.000000e+00 : f32
    %jit3A_680 = arith.constant 0.000000e+00 : f32
    %broadcast_in_dim3A_681 = vector.broadcast %jit3A_679 : f32 to vector<512x256xf32>
    %broadcast_in_dim3A_682 = vector.broadcast %jit3A_680 : f32 to vector<512x256xf32>
    %select_n3A_683 = arith.select %and3A_678, %broadcast_in_dim3A_681, %broadcast_in_dim3A_682 : vector<512x256xi1>, vector<512x256xf32>
    %mul3A_684 = vector.broadcast %convert_element_type3A_101 : vector<1x256xf32> to vector<512x256xf32>
    %mul3A_685 = arith.mulf %select_n3A_683, %mul3A_684 : vector<512x256xf32>
    %reduce_sum3A_686 = arith.constant dense<0.000000e+00> : vector<512xf32>
    %reduce_sum3A_687 = vector.multi_reduction <add>, %mul3A_685, %reduce_sum3A_686 [1] : vector<512x256xf32> to vector<512xf32>
    %broadcast_in_dim3A_688 = vector.shape_cast %reduce_sum3A_687 : vector<512xf32> to vector<512x1xf32>
    %mul3A_689 = arith.mulf %select_n3A_683, %dot_general3A_98 : vector<512x256xf32>
    %reduce_sum3A_690 = arith.constant dense<0.000000e+00> : vector<512xf32>
    %reduce_sum3A_691 = vector.multi_reduction <add>, %mul3A_689, %reduce_sum3A_690 [1] : vector<512x256xf32> to vector<512xf32>
    %broadcast_in_dim3A_692 = vector.shape_cast %reduce_sum3A_691 : vector<512xf32> to vector<512x1xf32>
    %mul3A_693 = arith.mulf %select_n3A_683, %dot_general3A_87 : vector<512x256xf32>
    %reduce_sum3A_694 = arith.constant dense<0.000000e+00> : vector<512xf32>
    %reduce_sum3A_695 = vector.multi_reduction <add>, %mul3A_693, %reduce_sum3A_694 [1] : vector<512x256xf32> to vector<512xf32>
    %broadcast_in_dim3A_696 = vector.shape_cast %reduce_sum3A_695 : vector<512xf32> to vector<512x1xf32>
    %le3A_697 = arith.constant 2.400000e+01 : f32
    %le3A_698 = vector.broadcast %le3A_697 : f32 to vector<512x256xf32>
    %le3A_699 = arith.cmpf ole, %dot_general3A_98, %le3A_698 : vector<512x256xf32>
    %gt3A_700 = arith.constant 2.400000e+01 : f32
    %gt3A_701 = vector.broadcast %gt3A_700 : f32 to vector<512x256xf32>
    %gt3A_702 = arith.cmpf ogt, %add3A_99, %gt3A_701 : vector<512x256xf32>
    %and3A_703 = arith.andi %le3A_699, %gt3A_702 : vector<512x256xi1>
    %jit3A_704 = arith.constant 1.000000e+00 : f32
    %jit3A_705 = arith.constant 0.000000e+00 : f32
    %broadcast_in_dim3A_706 = vector.broadcast %jit3A_704 : f32 to vector<512x256xf32>
    %broadcast_in_dim3A_707 = vector.broadcast %jit3A_705 : f32 to vector<512x256xf32>
    %select_n3A_708 = arith.select %and3A_703, %broadcast_in_dim3A_706, %broadcast_in_dim3A_707 : vector<512x256xi1>, vector<512x256xf32>
    %mul3A_709 = vector.broadcast %convert_element_type3A_101 : vector<1x256xf32> to vector<512x256xf32>
    %mul3A_710 = arith.mulf %select_n3A_708, %mul3A_709 : vector<512x256xf32>
    %reduce_sum3A_711 = arith.constant dense<0.000000e+00> : vector<512xf32>
    %reduce_sum3A_712 = vector.multi_reduction <add>, %mul3A_710, %reduce_sum3A_711 [1] : vector<512x256xf32> to vector<512xf32>
    %broadcast_in_dim3A_713 = vector.shape_cast %reduce_sum3A_712 : vector<512xf32> to vector<512x1xf32>
    %mul3A_714 = arith.mulf %select_n3A_708, %dot_general3A_98 : vector<512x256xf32>
    %reduce_sum3A_715 = arith.constant dense<0.000000e+00> : vector<512xf32>
    %reduce_sum3A_716 = vector.multi_reduction <add>, %mul3A_714, %reduce_sum3A_715 [1] : vector<512x256xf32> to vector<512xf32>
    %broadcast_in_dim3A_717 = vector.shape_cast %reduce_sum3A_716 : vector<512xf32> to vector<512x1xf32>
    %mul3A_718 = arith.mulf %select_n3A_708, %dot_general3A_87 : vector<512x256xf32>
    %reduce_sum3A_719 = arith.constant dense<0.000000e+00> : vector<512xf32>
    %reduce_sum3A_720 = vector.multi_reduction <add>, %mul3A_718, %reduce_sum3A_719 [1] : vector<512x256xf32> to vector<512xf32>
    %broadcast_in_dim3A_721 = vector.shape_cast %reduce_sum3A_720 : vector<512xf32> to vector<512x1xf32>
    %le3A_722 = arith.constant 2.500000e+01 : f32
    %le3A_723 = vector.broadcast %le3A_722 : f32 to vector<512x256xf32>
    %le3A_724 = arith.cmpf ole, %dot_general3A_98, %le3A_723 : vector<512x256xf32>
    %gt3A_725 = arith.constant 2.500000e+01 : f32
    %gt3A_726 = vector.broadcast %gt3A_725 : f32 to vector<512x256xf32>
    %gt3A_727 = arith.cmpf ogt, %add3A_99, %gt3A_726 : vector<512x256xf32>
    %and3A_728 = arith.andi %le3A_724, %gt3A_727 : vector<512x256xi1>
    %jit3A_729 = arith.constant 1.000000e+00 : f32
    %jit3A_730 = arith.constant 0.000000e+00 : f32
    %broadcast_in_dim3A_731 = vector.broadcast %jit3A_729 : f32 to vector<512x256xf32>
    %broadcast_in_dim3A_732 = vector.broadcast %jit3A_730 : f32 to vector<512x256xf32>
    %select_n3A_733 = arith.select %and3A_728, %broadcast_in_dim3A_731, %broadcast_in_dim3A_732 : vector<512x256xi1>, vector<512x256xf32>
    %mul3A_734 = vector.broadcast %convert_element_type3A_101 : vector<1x256xf32> to vector<512x256xf32>
    %mul3A_735 = arith.mulf %select_n3A_733, %mul3A_734 : vector<512x256xf32>
    %reduce_sum3A_736 = arith.constant dense<0.000000e+00> : vector<512xf32>
    %reduce_sum3A_737 = vector.multi_reduction <add>, %mul3A_735, %reduce_sum3A_736 [1] : vector<512x256xf32> to vector<512xf32>
    %broadcast_in_dim3A_738 = vector.shape_cast %reduce_sum3A_737 : vector<512xf32> to vector<512x1xf32>
    %mul3A_739 = arith.mulf %select_n3A_733, %dot_general3A_98 : vector<512x256xf32>
    %reduce_sum3A_740 = arith.constant dense<0.000000e+00> : vector<512xf32>
    %reduce_sum3A_741 = vector.multi_reduction <add>, %mul3A_739, %reduce_sum3A_740 [1] : vector<512x256xf32> to vector<512xf32>
    %broadcast_in_dim3A_742 = vector.shape_cast %reduce_sum3A_741 : vector<512xf32> to vector<512x1xf32>
    %mul3A_743 = arith.mulf %select_n3A_733, %dot_general3A_87 : vector<512x256xf32>
    %reduce_sum3A_744 = arith.constant dense<0.000000e+00> : vector<512xf32>
    %reduce_sum3A_745 = vector.multi_reduction <add>, %mul3A_743, %reduce_sum3A_744 [1] : vector<512x256xf32> to vector<512xf32>
    %broadcast_in_dim3A_746 = vector.shape_cast %reduce_sum3A_745 : vector<512xf32> to vector<512x1xf32>
    %le3A_747 = arith.constant 2.600000e+01 : f32
    %le3A_748 = vector.broadcast %le3A_747 : f32 to vector<512x256xf32>
    %le3A_749 = arith.cmpf ole, %dot_general3A_98, %le3A_748 : vector<512x256xf32>
    %gt3A_750 = arith.constant 2.600000e+01 : f32
    %gt3A_751 = vector.broadcast %gt3A_750 : f32 to vector<512x256xf32>
    %gt3A_752 = arith.cmpf ogt, %add3A_99, %gt3A_751 : vector<512x256xf32>
    %and3A_753 = arith.andi %le3A_749, %gt3A_752 : vector<512x256xi1>
    %jit3A_754 = arith.constant 1.000000e+00 : f32
    %jit3A_755 = arith.constant 0.000000e+00 : f32
    %broadcast_in_dim3A_756 = vector.broadcast %jit3A_754 : f32 to vector<512x256xf32>
    %broadcast_in_dim3A_757 = vector.broadcast %jit3A_755 : f32 to vector<512x256xf32>
    %select_n3A_758 = arith.select %and3A_753, %broadcast_in_dim3A_756, %broadcast_in_dim3A_757 : vector<512x256xi1>, vector<512x256xf32>
    %mul3A_759 = vector.broadcast %convert_element_type3A_101 : vector<1x256xf32> to vector<512x256xf32>
    %mul3A_760 = arith.mulf %select_n3A_758, %mul3A_759 : vector<512x256xf32>
    %reduce_sum3A_761 = arith.constant dense<0.000000e+00> : vector<512xf32>
    %reduce_sum3A_762 = vector.multi_reduction <add>, %mul3A_760, %reduce_sum3A_761 [1] : vector<512x256xf32> to vector<512xf32>
    %broadcast_in_dim3A_763 = vector.shape_cast %reduce_sum3A_762 : vector<512xf32> to vector<512x1xf32>
    %mul3A_764 = arith.mulf %select_n3A_758, %dot_general3A_98 : vector<512x256xf32>
    %reduce_sum3A_765 = arith.constant dense<0.000000e+00> : vector<512xf32>
    %reduce_sum3A_766 = vector.multi_reduction <add>, %mul3A_764, %reduce_sum3A_765 [1] : vector<512x256xf32> to vector<512xf32>
    %broadcast_in_dim3A_767 = vector.shape_cast %reduce_sum3A_766 : vector<512xf32> to vector<512x1xf32>
    %mul3A_768 = arith.mulf %select_n3A_758, %dot_general3A_87 : vector<512x256xf32>
    %reduce_sum3A_769 = arith.constant dense<0.000000e+00> : vector<512xf32>
    %reduce_sum3A_770 = vector.multi_reduction <add>, %mul3A_768, %reduce_sum3A_769 [1] : vector<512x256xf32> to vector<512xf32>
    %broadcast_in_dim3A_771 = vector.shape_cast %reduce_sum3A_770 : vector<512xf32> to vector<512x1xf32>
    %le3A_772 = arith.constant 2.700000e+01 : f32
    %le3A_773 = vector.broadcast %le3A_772 : f32 to vector<512x256xf32>
    %le3A_774 = arith.cmpf ole, %dot_general3A_98, %le3A_773 : vector<512x256xf32>
    %gt3A_775 = arith.constant 2.700000e+01 : f32
    %gt3A_776 = vector.broadcast %gt3A_775 : f32 to vector<512x256xf32>
    %gt3A_777 = arith.cmpf ogt, %add3A_99, %gt3A_776 : vector<512x256xf32>
    %and3A_778 = arith.andi %le3A_774, %gt3A_777 : vector<512x256xi1>
    %jit3A_779 = arith.constant 1.000000e+00 : f32
    %jit3A_780 = arith.constant 0.000000e+00 : f32
    %broadcast_in_dim3A_781 = vector.broadcast %jit3A_779 : f32 to vector<512x256xf32>
    %broadcast_in_dim3A_782 = vector.broadcast %jit3A_780 : f32 to vector<512x256xf32>
    %select_n3A_783 = arith.select %and3A_778, %broadcast_in_dim3A_781, %broadcast_in_dim3A_782 : vector<512x256xi1>, vector<512x256xf32>
    %mul3A_784 = vector.broadcast %convert_element_type3A_101 : vector<1x256xf32> to vector<512x256xf32>
    %mul3A_785 = arith.mulf %select_n3A_783, %mul3A_784 : vector<512x256xf32>
    %reduce_sum3A_786 = arith.constant dense<0.000000e+00> : vector<512xf32>
    %reduce_sum3A_787 = vector.multi_reduction <add>, %mul3A_785, %reduce_sum3A_786 [1] : vector<512x256xf32> to vector<512xf32>
    %broadcast_in_dim3A_788 = vector.shape_cast %reduce_sum3A_787 : vector<512xf32> to vector<512x1xf32>
    %mul3A_789 = arith.mulf %select_n3A_783, %dot_general3A_98 : vector<512x256xf32>
    %reduce_sum3A_790 = arith.constant dense<0.000000e+00> : vector<512xf32>
    %reduce_sum3A_791 = vector.multi_reduction <add>, %mul3A_789, %reduce_sum3A_790 [1] : vector<512x256xf32> to vector<512xf32>
    %broadcast_in_dim3A_792 = vector.shape_cast %reduce_sum3A_791 : vector<512xf32> to vector<512x1xf32>
    %mul3A_793 = arith.mulf %select_n3A_783, %dot_general3A_87 : vector<512x256xf32>
    %reduce_sum3A_794 = arith.constant dense<0.000000e+00> : vector<512xf32>
    %reduce_sum3A_795 = vector.multi_reduction <add>, %mul3A_793, %reduce_sum3A_794 [1] : vector<512x256xf32> to vector<512xf32>
    %broadcast_in_dim3A_796 = vector.shape_cast %reduce_sum3A_795 : vector<512xf32> to vector<512x1xf32>
    %le3A_797 = arith.constant 2.800000e+01 : f32
    %le3A_798 = vector.broadcast %le3A_797 : f32 to vector<512x256xf32>
    %le3A_799 = arith.cmpf ole, %dot_general3A_98, %le3A_798 : vector<512x256xf32>
    %gt3A_800 = arith.constant 2.800000e+01 : f32
    %gt3A_801 = vector.broadcast %gt3A_800 : f32 to vector<512x256xf32>
    %gt3A_802 = arith.cmpf ogt, %add3A_99, %gt3A_801 : vector<512x256xf32>
    %and3A_803 = arith.andi %le3A_799, %gt3A_802 : vector<512x256xi1>
    %jit3A_804 = arith.constant 1.000000e+00 : f32
    %jit3A_805 = arith.constant 0.000000e+00 : f32
    %broadcast_in_dim3A_806 = vector.broadcast %jit3A_804 : f32 to vector<512x256xf32>
    %broadcast_in_dim3A_807 = vector.broadcast %jit3A_805 : f32 to vector<512x256xf32>
    %select_n3A_808 = arith.select %and3A_803, %broadcast_in_dim3A_806, %broadcast_in_dim3A_807 : vector<512x256xi1>, vector<512x256xf32>
    %mul3A_809 = vector.broadcast %convert_element_type3A_101 : vector<1x256xf32> to vector<512x256xf32>
    %mul3A_810 = arith.mulf %select_n3A_808, %mul3A_809 : vector<512x256xf32>
    %reduce_sum3A_811 = arith.constant dense<0.000000e+00> : vector<512xf32>
    %reduce_sum3A_812 = vector.multi_reduction <add>, %mul3A_810, %reduce_sum3A_811 [1] : vector<512x256xf32> to vector<512xf32>
    %broadcast_in_dim3A_813 = vector.shape_cast %reduce_sum3A_812 : vector<512xf32> to vector<512x1xf32>
    %mul3A_814 = arith.mulf %select_n3A_808, %dot_general3A_98 : vector<512x256xf32>
    %reduce_sum3A_815 = arith.constant dense<0.000000e+00> : vector<512xf32>
    %reduce_sum3A_816 = vector.multi_reduction <add>, %mul3A_814, %reduce_sum3A_815 [1] : vector<512x256xf32> to vector<512xf32>
    %broadcast_in_dim3A_817 = vector.shape_cast %reduce_sum3A_816 : vector<512xf32> to vector<512x1xf32>
    %mul3A_818 = arith.mulf %select_n3A_808, %dot_general3A_87 : vector<512x256xf32>
    %reduce_sum3A_819 = arith.constant dense<0.000000e+00> : vector<512xf32>
    %reduce_sum3A_820 = vector.multi_reduction <add>, %mul3A_818, %reduce_sum3A_819 [1] : vector<512x256xf32> to vector<512xf32>
    %broadcast_in_dim3A_821 = vector.shape_cast %reduce_sum3A_820 : vector<512xf32> to vector<512x1xf32>
    %le3A_822 = arith.constant 2.900000e+01 : f32
    %le3A_823 = vector.broadcast %le3A_822 : f32 to vector<512x256xf32>
    %le3A_824 = arith.cmpf ole, %dot_general3A_98, %le3A_823 : vector<512x256xf32>
    %gt3A_825 = arith.constant 2.900000e+01 : f32
    %gt3A_826 = vector.broadcast %gt3A_825 : f32 to vector<512x256xf32>
    %gt3A_827 = arith.cmpf ogt, %add3A_99, %gt3A_826 : vector<512x256xf32>
    %and3A_828 = arith.andi %le3A_824, %gt3A_827 : vector<512x256xi1>
    %jit3A_829 = arith.constant 1.000000e+00 : f32
    %jit3A_830 = arith.constant 0.000000e+00 : f32
    %broadcast_in_dim3A_831 = vector.broadcast %jit3A_829 : f32 to vector<512x256xf32>
    %broadcast_in_dim3A_832 = vector.broadcast %jit3A_830 : f32 to vector<512x256xf32>
    %select_n3A_833 = arith.select %and3A_828, %broadcast_in_dim3A_831, %broadcast_in_dim3A_832 : vector<512x256xi1>, vector<512x256xf32>
    %mul3A_834 = vector.broadcast %convert_element_type3A_101 : vector<1x256xf32> to vector<512x256xf32>
    %mul3A_835 = arith.mulf %select_n3A_833, %mul3A_834 : vector<512x256xf32>
    %reduce_sum3A_836 = arith.constant dense<0.000000e+00> : vector<512xf32>
    %reduce_sum3A_837 = vector.multi_reduction <add>, %mul3A_835, %reduce_sum3A_836 [1] : vector<512x256xf32> to vector<512xf32>
    %broadcast_in_dim3A_838 = vector.shape_cast %reduce_sum3A_837 : vector<512xf32> to vector<512x1xf32>
    %mul3A_839 = arith.mulf %select_n3A_833, %dot_general3A_98 : vector<512x256xf32>
    %reduce_sum3A_840 = arith.constant dense<0.000000e+00> : vector<512xf32>
    %reduce_sum3A_841 = vector.multi_reduction <add>, %mul3A_839, %reduce_sum3A_840 [1] : vector<512x256xf32> to vector<512xf32>
    %broadcast_in_dim3A_842 = vector.shape_cast %reduce_sum3A_841 : vector<512xf32> to vector<512x1xf32>
    %mul3A_843 = arith.mulf %select_n3A_833, %dot_general3A_87 : vector<512x256xf32>
    %reduce_sum3A_844 = arith.constant dense<0.000000e+00> : vector<512xf32>
    %reduce_sum3A_845 = vector.multi_reduction <add>, %mul3A_843, %reduce_sum3A_844 [1] : vector<512x256xf32> to vector<512xf32>
    %broadcast_in_dim3A_846 = vector.shape_cast %reduce_sum3A_845 : vector<512xf32> to vector<512x1xf32>
    %le3A_847 = arith.constant 3.000000e+01 : f32
    %le3A_848 = vector.broadcast %le3A_847 : f32 to vector<512x256xf32>
    %le3A_849 = arith.cmpf ole, %dot_general3A_98, %le3A_848 : vector<512x256xf32>
    %gt3A_850 = arith.constant 3.000000e+01 : f32
    %gt3A_851 = vector.broadcast %gt3A_850 : f32 to vector<512x256xf32>
    %gt3A_852 = arith.cmpf ogt, %add3A_99, %gt3A_851 : vector<512x256xf32>
    %and3A_853 = arith.andi %le3A_849, %gt3A_852 : vector<512x256xi1>
    %jit3A_854 = arith.constant 1.000000e+00 : f32
    %jit3A_855 = arith.constant 0.000000e+00 : f32
    %broadcast_in_dim3A_856 = vector.broadcast %jit3A_854 : f32 to vector<512x256xf32>
    %broadcast_in_dim3A_857 = vector.broadcast %jit3A_855 : f32 to vector<512x256xf32>
    %select_n3A_858 = arith.select %and3A_853, %broadcast_in_dim3A_856, %broadcast_in_dim3A_857 : vector<512x256xi1>, vector<512x256xf32>
    %mul3A_859 = vector.broadcast %convert_element_type3A_101 : vector<1x256xf32> to vector<512x256xf32>
    %mul3A_860 = arith.mulf %select_n3A_858, %mul3A_859 : vector<512x256xf32>
    %reduce_sum3A_861 = arith.constant dense<0.000000e+00> : vector<512xf32>
    %reduce_sum3A_862 = vector.multi_reduction <add>, %mul3A_860, %reduce_sum3A_861 [1] : vector<512x256xf32> to vector<512xf32>
    %broadcast_in_dim3A_863 = vector.shape_cast %reduce_sum3A_862 : vector<512xf32> to vector<512x1xf32>
    %mul3A_864 = arith.mulf %select_n3A_858, %dot_general3A_98 : vector<512x256xf32>
    %reduce_sum3A_865 = arith.constant dense<0.000000e+00> : vector<512xf32>
    %reduce_sum3A_866 = vector.multi_reduction <add>, %mul3A_864, %reduce_sum3A_865 [1] : vector<512x256xf32> to vector<512xf32>
    %broadcast_in_dim3A_867 = vector.shape_cast %reduce_sum3A_866 : vector<512xf32> to vector<512x1xf32>
    %mul3A_868 = arith.mulf %select_n3A_858, %dot_general3A_87 : vector<512x256xf32>
    %reduce_sum3A_869 = arith.constant dense<0.000000e+00> : vector<512xf32>
    %reduce_sum3A_870 = vector.multi_reduction <add>, %mul3A_868, %reduce_sum3A_869 [1] : vector<512x256xf32> to vector<512xf32>
    %broadcast_in_dim3A_871 = vector.shape_cast %reduce_sum3A_870 : vector<512xf32> to vector<512x1xf32>
    %le3A_872 = arith.constant 3.100000e+01 : f32
    %le3A_873 = vector.broadcast %le3A_872 : f32 to vector<512x256xf32>
    %le3A_874 = arith.cmpf ole, %dot_general3A_98, %le3A_873 : vector<512x256xf32>
    %gt3A_875 = arith.constant 3.100000e+01 : f32
    %gt3A_876 = vector.broadcast %gt3A_875 : f32 to vector<512x256xf32>
    %gt3A_877 = arith.cmpf ogt, %add3A_99, %gt3A_876 : vector<512x256xf32>
    %and3A_878 = arith.andi %le3A_874, %gt3A_877 : vector<512x256xi1>
    %jit3A_879 = arith.constant 1.000000e+00 : f32
    %jit3A_880 = arith.constant 0.000000e+00 : f32
    %broadcast_in_dim3A_881 = vector.broadcast %jit3A_879 : f32 to vector<512x256xf32>
    %broadcast_in_dim3A_882 = vector.broadcast %jit3A_880 : f32 to vector<512x256xf32>
    %select_n3A_883 = arith.select %and3A_878, %broadcast_in_dim3A_881, %broadcast_in_dim3A_882 : vector<512x256xi1>, vector<512x256xf32>
    %mul3A_884 = vector.broadcast %convert_element_type3A_101 : vector<1x256xf32> to vector<512x256xf32>
    %mul3A_885 = arith.mulf %select_n3A_883, %mul3A_884 : vector<512x256xf32>
    %reduce_sum3A_886 = arith.constant dense<0.000000e+00> : vector<512xf32>
    %reduce_sum3A_887 = vector.multi_reduction <add>, %mul3A_885, %reduce_sum3A_886 [1] : vector<512x256xf32> to vector<512xf32>
    %broadcast_in_dim3A_888 = vector.shape_cast %reduce_sum3A_887 : vector<512xf32> to vector<512x1xf32>
    %mul3A_889 = arith.mulf %select_n3A_883, %dot_general3A_98 : vector<512x256xf32>
    %reduce_sum3A_890 = arith.constant dense<0.000000e+00> : vector<512xf32>
    %reduce_sum3A_891 = vector.multi_reduction <add>, %mul3A_889, %reduce_sum3A_890 [1] : vector<512x256xf32> to vector<512xf32>
    %broadcast_in_dim3A_892 = vector.shape_cast %reduce_sum3A_891 : vector<512xf32> to vector<512x1xf32>
    %mul3A_893 = arith.mulf %select_n3A_883, %dot_general3A_87 : vector<512x256xf32>
    %reduce_sum3A_894 = arith.constant dense<0.000000e+00> : vector<512xf32>
    %reduce_sum3A_895 = vector.multi_reduction <add>, %mul3A_893, %reduce_sum3A_894 [1] : vector<512x256xf32> to vector<512xf32>
    %broadcast_in_dim3A_896 = vector.shape_cast %reduce_sum3A_895 : vector<512xf32> to vector<512x1xf32>
    %concatenate3A_897 = tpu.concatenate %broadcast_in_dim3A_113, %broadcast_in_dim3A_138, %broadcast_in_dim3A_163, %broadcast_in_dim3A_188, %broadcast_in_dim3A_213, %broadcast_in_dim3A_238, %broadcast_in_dim3A_263, %broadcast_in_dim3A_288, %broadcast_in_dim3A_313, %broadcast_in_dim3A_338, %broadcast_in_dim3A_363, %broadcast_in_dim3A_388, %broadcast_in_dim3A_413, %broadcast_in_dim3A_438, %broadcast_in_dim3A_463, %broadcast_in_dim3A_488, %broadcast_in_dim3A_513, %broadcast_in_dim3A_538, %broadcast_in_dim3A_563, %broadcast_in_dim3A_588, %broadcast_in_dim3A_613, %broadcast_in_dim3A_638, %broadcast_in_dim3A_663, %broadcast_in_dim3A_688, %broadcast_in_dim3A_713, %broadcast_in_dim3A_738, %broadcast_in_dim3A_763, %broadcast_in_dim3A_788, %broadcast_in_dim3A_813, %broadcast_in_dim3A_838, %broadcast_in_dim3A_863, %broadcast_in_dim3A_888 in 1 : vector<512x1xf32>, vector<512x1xf32>, vector<512x1xf32>, vector<512x1xf32>, vector<512x1xf32>, vector<512x1xf32>, vector<512x1xf32>, vector<512x1xf32>, vector<512x1xf32>, vector<512x1xf32>, vector<512x1xf32>, vector<512x1xf32>, vector<512x1xf32>, vector<512x1xf32>, vector<512x1xf32>, vector<512x1xf32>, vector<512x1xf32>, vector<512x1xf32>, vector<512x1xf32>, vector<512x1xf32>, vector<512x1xf32>, vector<512x1xf32>, vector<512x1xf32>, vector<512x1xf32>, vector<512x1xf32>, vector<512x1xf32>, vector<512x1xf32>, vector<512x1xf32>, vector<512x1xf32>, vector<512x1xf32>, vector<512x1xf32>, vector<512x1xf32> -> vector<512x32xf32>
    %concatenate3A_898 = tpu.concatenate %broadcast_in_dim3A_117, %broadcast_in_dim3A_142, %broadcast_in_dim3A_167, %broadcast_in_dim3A_192, %broadcast_in_dim3A_217, %broadcast_in_dim3A_242, %broadcast_in_dim3A_267, %broadcast_in_dim3A_292, %broadcast_in_dim3A_317, %broadcast_in_dim3A_342, %broadcast_in_dim3A_367, %broadcast_in_dim3A_392, %broadcast_in_dim3A_417, %broadcast_in_dim3A_442, %broadcast_in_dim3A_467, %broadcast_in_dim3A_492, %broadcast_in_dim3A_517, %broadcast_in_dim3A_542, %broadcast_in_dim3A_567, %broadcast_in_dim3A_592, %broadcast_in_dim3A_617, %broadcast_in_dim3A_642, %broadcast_in_dim3A_667, %broadcast_in_dim3A_692, %broadcast_in_dim3A_717, %broadcast_in_dim3A_742, %broadcast_in_dim3A_767, %broadcast_in_dim3A_792, %broadcast_in_dim3A_817, %broadcast_in_dim3A_842, %broadcast_in_dim3A_867, %broadcast_in_dim3A_892 in 1 : vector<512x1xf32>, vector<512x1xf32>, vector<512x1xf32>, vector<512x1xf32>, vector<512x1xf32>, vector<512x1xf32>, vector<512x1xf32>, vector<512x1xf32>, vector<512x1xf32>, vector<512x1xf32>, vector<512x1xf32>, vector<512x1xf32>, vector<512x1xf32>, vector<512x1xf32>, vector<512x1xf32>, vector<512x1xf32>, vector<512x1xf32>, vector<512x1xf32>, vector<512x1xf32>, vector<512x1xf32>, vector<512x1xf32>, vector<512x1xf32>, vector<512x1xf32>, vector<512x1xf32>, vector<512x1xf32>, vector<512x1xf32>, vector<512x1xf32>, vector<512x1xf32>, vector<512x1xf32>, vector<512x1xf32>, vector<512x1xf32>, vector<512x1xf32> -> vector<512x32xf32>
    %concatenate3A_899 = tpu.concatenate %broadcast_in_dim3A_121, %broadcast_in_dim3A_146, %broadcast_in_dim3A_171, %broadcast_in_dim3A_196, %broadcast_in_dim3A_221, %broadcast_in_dim3A_246, %broadcast_in_dim3A_271, %broadcast_in_dim3A_296, %broadcast_in_dim3A_321, %broadcast_in_dim3A_346, %broadcast_in_dim3A_371, %broadcast_in_dim3A_396, %broadcast_in_dim3A_421, %broadcast_in_dim3A_446, %broadcast_in_dim3A_471, %broadcast_in_dim3A_496, %broadcast_in_dim3A_521, %broadcast_in_dim3A_546, %broadcast_in_dim3A_571, %broadcast_in_dim3A_596, %broadcast_in_dim3A_621, %broadcast_in_dim3A_646, %broadcast_in_dim3A_671, %broadcast_in_dim3A_696, %broadcast_in_dim3A_721, %broadcast_in_dim3A_746, %broadcast_in_dim3A_771, %broadcast_in_dim3A_796, %broadcast_in_dim3A_821, %broadcast_in_dim3A_846, %broadcast_in_dim3A_871, %broadcast_in_dim3A_896 in 1 : vector<512x1xf32>, vector<512x1xf32>, vector<512x1xf32>, vector<512x1xf32>, vector<512x1xf32>, vector<512x1xf32>, vector<512x1xf32>, vector<512x1xf32>, vector<512x1xf32>, vector<512x1xf32>, vector<512x1xf32>, vector<512x1xf32>, vector<512x1xf32>, vector<512x1xf32>, vector<512x1xf32>, vector<512x1xf32>, vector<512x1xf32>, vector<512x1xf32>, vector<512x1xf32>, vector<512x1xf32>, vector<512x1xf32>, vector<512x1xf32>, vector<512x1xf32>, vector<512x1xf32>, vector<512x1xf32>, vector<512x1xf32>, vector<512x1xf32>, vector<512x1xf32>, vector<512x1xf32>, vector<512x1xf32>, vector<512x1xf32>, vector<512x1xf32> -> vector<512x32xf32>
    %iota3A_900 = tpu.iota {dimensions = array<i32: 1>} : vector<1x32xi32>
    %convert_element_type3A_901 = arith.sitofp %iota3A_900 : vector<1x32xi32> to vector<1x32xf32>
    %sub3A_902 = vector.broadcast %convert_element_type3A_901 : vector<1x32xf32> to vector<512x32xf32>
    %sub3A_903 = arith.subf %sub3A_902, %concatenate3A_898 : vector<512x32xf32>
    %broadcast_in_dim3A_904 = arith.constant 0.000000e+00 : f32
    %broadcast_in_dim3A_905 = vector.broadcast %broadcast_in_dim3A_904 : f32 to vector<512x32xf32>
    %broadcast_in_dim3A_906 = arith.constant 0.000000e+00 : f32
    %broadcast_in_dim3A_907 = vector.broadcast %broadcast_in_dim3A_906 : f32 to vector<512x32xf32>
    %mul3A_908 = arith.constant 5.000000e-01 : f32
    %mul3A_909 = vector.broadcast %mul3A_908 : f32 to vector<512x32xf32>
    %mul3A_910 = arith.mulf %concatenate3A_899, %mul3A_909 : vector<512x32xf32>
    %floor3A = math.floor %mul3A_910 : vector<512x32xf32>
    %mul3A_911 = arith.constant 2.000000e+00 : f32
    %mul3A_912 = vector.broadcast %mul3A_911 : f32 to vector<512x32xf32>
    %mul3A_913 = arith.mulf %mul3A_912, %floor3A : vector<512x32xf32>
    %sub3A_914 = arith.subf %concatenate3A_899, %mul3A_913 : vector<512x32xf32>
    %add3A_915 = arith.addf %broadcast_in_dim3A_905, %sub3A_914 : vector<512x32xf32>
    %le3A_916 = arith.cmpf ole, %add3A_915, %sub3A_903 : vector<512x32xf32>
    %jit3A_917 = arith.constant 1.000000e+00 : f32
    %jit3A_918 = arith.constant 0.000000e+00 : f32
    %broadcast_in_dim3A_919 = vector.broadcast %jit3A_917 : f32 to vector<512x32xf32>
    %broadcast_in_dim3A_920 = vector.broadcast %jit3A_918 : f32 to vector<512x32xf32>
    %select_n3A_921 = arith.select %le3A_916, %broadcast_in_dim3A_919, %broadcast_in_dim3A_920 : vector<512x32xi1>, vector<512x32xf32>
    %add3A_922 = arith.addf %broadcast_in_dim3A_907, %select_n3A_921 : vector<512x32xf32>
    %mul3A_923 = arith.constant 5.000000e-01 : f32
    %mul3A_924 = vector.broadcast %mul3A_923 : f32 to vector<512x32xf32>
    %mul3A_925 = arith.mulf %floor3A, %mul3A_924 : vector<512x32xf32>
    %floor3A_926 = math.floor %mul3A_925 : vector<512x32xf32>
    %mul3A_927 = arith.constant 2.000000e+00 : f32
    %mul3A_928 = vector.broadcast %mul3A_927 : f32 to vector<512x32xf32>
    %mul3A_929 = arith.mulf %mul3A_928, %floor3A_926 : vector<512x32xf32>
    %sub3A_930 = arith.subf %floor3A, %mul3A_929 : vector<512x32xf32>
    %add3A_931 = arith.addf %add3A_915, %sub3A_930 : vector<512x32xf32>
    %le3A_932 = arith.cmpf ole, %add3A_931, %sub3A_903 : vector<512x32xf32>
    %jit3A_933 = arith.constant 1.000000e+00 : f32
    %jit3A_934 = arith.constant 0.000000e+00 : f32
    %broadcast_in_dim3A_935 = vector.broadcast %jit3A_933 : f32 to vector<512x32xf32>
    %broadcast_in_dim3A_936 = vector.broadcast %jit3A_934 : f32 to vector<512x32xf32>
    %select_n3A_937 = arith.select %le3A_932, %broadcast_in_dim3A_935, %broadcast_in_dim3A_936 : vector<512x32xi1>, vector<512x32xf32>
    %add3A_938 = arith.addf %add3A_922, %select_n3A_937 : vector<512x32xf32>
    %mul3A_939 = arith.constant 5.000000e-01 : f32
    %mul3A_940 = vector.broadcast %mul3A_939 : f32 to vector<512x32xf32>
    %mul3A_941 = arith.mulf %floor3A_926, %mul3A_940 : vector<512x32xf32>
    %floor3A_942 = math.floor %mul3A_941 : vector<512x32xf32>
    %mul3A_943 = arith.constant 2.000000e+00 : f32
    %mul3A_944 = vector.broadcast %mul3A_943 : f32 to vector<512x32xf32>
    %mul3A_945 = arith.mulf %mul3A_944, %floor3A_942 : vector<512x32xf32>
    %sub3A_946 = arith.subf %floor3A_926, %mul3A_945 : vector<512x32xf32>
    %add3A_947 = arith.addf %add3A_931, %sub3A_946 : vector<512x32xf32>
    %le3A_948 = arith.cmpf ole, %add3A_947, %sub3A_903 : vector<512x32xf32>
    %jit3A_949 = arith.constant 1.000000e+00 : f32
    %jit3A_950 = arith.constant 0.000000e+00 : f32
    %broadcast_in_dim3A_951 = vector.broadcast %jit3A_949 : f32 to vector<512x32xf32>
    %broadcast_in_dim3A_952 = vector.broadcast %jit3A_950 : f32 to vector<512x32xf32>
    %select_n3A_953 = arith.select %le3A_948, %broadcast_in_dim3A_951, %broadcast_in_dim3A_952 : vector<512x32xi1>, vector<512x32xf32>
    %add3A_954 = arith.addf %add3A_938, %select_n3A_953 : vector<512x32xf32>
    %mul3A_955 = arith.constant 5.000000e-01 : f32
    %mul3A_956 = vector.broadcast %mul3A_955 : f32 to vector<512x32xf32>
    %mul3A_957 = arith.mulf %floor3A_942, %mul3A_956 : vector<512x32xf32>
    %floor3A_958 = math.floor %mul3A_957 : vector<512x32xf32>
    %mul3A_959 = arith.constant 2.000000e+00 : f32
    %mul3A_960 = vector.broadcast %mul3A_959 : f32 to vector<512x32xf32>
    %mul3A_961 = arith.mulf %mul3A_960, %floor3A_958 : vector<512x32xf32>
    %sub3A_962 = arith.subf %floor3A_942, %mul3A_961 : vector<512x32xf32>
    %add3A_963 = arith.addf %add3A_947, %sub3A_962 : vector<512x32xf32>
    %le3A_964 = arith.cmpf ole, %add3A_963, %sub3A_903 : vector<512x32xf32>
    %jit3A_965 = arith.constant 1.000000e+00 : f32
    %jit3A_966 = arith.constant 0.000000e+00 : f32
    %broadcast_in_dim3A_967 = vector.broadcast %jit3A_965 : f32 to vector<512x32xf32>
    %broadcast_in_dim3A_968 = vector.broadcast %jit3A_966 : f32 to vector<512x32xf32>
    %select_n3A_969 = arith.select %le3A_964, %broadcast_in_dim3A_967, %broadcast_in_dim3A_968 : vector<512x32xi1>, vector<512x32xf32>
    %add3A_970 = arith.addf %add3A_954, %select_n3A_969 : vector<512x32xf32>
    %mul3A_971 = arith.constant 5.000000e-01 : f32
    %mul3A_972 = vector.broadcast %mul3A_971 : f32 to vector<512x32xf32>
    %mul3A_973 = arith.mulf %floor3A_958, %mul3A_972 : vector<512x32xf32>
    %floor3A_974 = math.floor %mul3A_973 : vector<512x32xf32>
    %mul3A_975 = arith.constant 2.000000e+00 : f32
    %mul3A_976 = vector.broadcast %mul3A_975 : f32 to vector<512x32xf32>
    %mul3A_977 = arith.mulf %mul3A_976, %floor3A_974 : vector<512x32xf32>
    %sub3A_978 = arith.subf %floor3A_958, %mul3A_977 : vector<512x32xf32>
    %add3A_979 = arith.addf %add3A_963, %sub3A_978 : vector<512x32xf32>
    %le3A_980 = arith.cmpf ole, %add3A_979, %sub3A_903 : vector<512x32xf32>
    %jit3A_981 = arith.constant 1.000000e+00 : f32
    %jit3A_982 = arith.constant 0.000000e+00 : f32
    %broadcast_in_dim3A_983 = vector.broadcast %jit3A_981 : f32 to vector<512x32xf32>
    %broadcast_in_dim3A_984 = vector.broadcast %jit3A_982 : f32 to vector<512x32xf32>
    %select_n3A_985 = arith.select %le3A_980, %broadcast_in_dim3A_983, %broadcast_in_dim3A_984 : vector<512x32xi1>, vector<512x32xf32>
    %add3A_986 = arith.addf %add3A_970, %select_n3A_985 : vector<512x32xf32>
    %mul3A_987 = arith.constant 5.000000e-01 : f32
    %mul3A_988 = vector.broadcast %mul3A_987 : f32 to vector<512x32xf32>
    %mul3A_989 = arith.mulf %floor3A_974, %mul3A_988 : vector<512x32xf32>
    %floor3A_990 = math.floor %mul3A_989 : vector<512x32xf32>
    %mul3A_991 = arith.constant 2.000000e+00 : f32
    %mul3A_992 = vector.broadcast %mul3A_991 : f32 to vector<512x32xf32>
    %mul3A_993 = arith.mulf %mul3A_992, %floor3A_990 : vector<512x32xf32>
    %sub3A_994 = arith.subf %floor3A_974, %mul3A_993 : vector<512x32xf32>
    %add3A_995 = arith.addf %add3A_979, %sub3A_994 : vector<512x32xf32>
    %le3A_996 = arith.cmpf ole, %add3A_995, %sub3A_903 : vector<512x32xf32>
    %jit3A_997 = arith.constant 1.000000e+00 : f32
    %jit3A_998 = arith.constant 0.000000e+00 : f32
    %broadcast_in_dim3A_999 = vector.broadcast %jit3A_997 : f32 to vector<512x32xf32>
    %broadcast_in_dim3A_1000 = vector.broadcast %jit3A_998 : f32 to vector<512x32xf32>
    %select_n3A_1001 = arith.select %le3A_996, %broadcast_in_dim3A_999, %broadcast_in_dim3A_1000 : vector<512x32xi1>, vector<512x32xf32>
    %add3A_1002 = arith.addf %add3A_986, %select_n3A_1001 : vector<512x32xf32>
    %mul3A_1003 = arith.constant 5.000000e-01 : f32
    %mul3A_1004 = vector.broadcast %mul3A_1003 : f32 to vector<512x32xf32>
    %mul3A_1005 = arith.mulf %floor3A_990, %mul3A_1004 : vector<512x32xf32>
    %floor3A_1006 = math.floor %mul3A_1005 : vector<512x32xf32>
    %mul3A_1007 = arith.constant 2.000000e+00 : f32
    %mul3A_1008 = vector.broadcast %mul3A_1007 : f32 to vector<512x32xf32>
    %mul3A_1009 = arith.mulf %mul3A_1008, %floor3A_1006 : vector<512x32xf32>
    %sub3A_1010 = arith.subf %floor3A_990, %mul3A_1009 : vector<512x32xf32>
    %add3A_1011 = arith.addf %add3A_995, %sub3A_1010 : vector<512x32xf32>
    %le3A_1012 = arith.cmpf ole, %add3A_1011, %sub3A_903 : vector<512x32xf32>
    %jit3A_1013 = arith.constant 1.000000e+00 : f32
    %jit3A_1014 = arith.constant 0.000000e+00 : f32
    %broadcast_in_dim3A_1015 = vector.broadcast %jit3A_1013 : f32 to vector<512x32xf32>
    %broadcast_in_dim3A_1016 = vector.broadcast %jit3A_1014 : f32 to vector<512x32xf32>
    %select_n3A_1017 = arith.select %le3A_1012, %broadcast_in_dim3A_1015, %broadcast_in_dim3A_1016 : vector<512x32xi1>, vector<512x32xf32>
    %add3A_1018 = arith.addf %add3A_1002, %select_n3A_1017 : vector<512x32xf32>
    %mul3A_1019 = arith.constant 5.000000e-01 : f32
    %mul3A_1020 = vector.broadcast %mul3A_1019 : f32 to vector<512x32xf32>
    %mul3A_1021 = arith.mulf %floor3A_1006, %mul3A_1020 : vector<512x32xf32>
    %floor3A_1022 = math.floor %mul3A_1021 : vector<512x32xf32>
    %mul3A_1023 = arith.constant 2.000000e+00 : f32
    %mul3A_1024 = vector.broadcast %mul3A_1023 : f32 to vector<512x32xf32>
    %mul3A_1025 = arith.mulf %mul3A_1024, %floor3A_1022 : vector<512x32xf32>
    %sub3A_1026 = arith.subf %floor3A_1006, %mul3A_1025 : vector<512x32xf32>
    %add3A_1027 = arith.addf %add3A_1011, %sub3A_1026 : vector<512x32xf32>
    %le3A_1028 = arith.cmpf ole, %add3A_1027, %sub3A_903 : vector<512x32xf32>
    %jit3A_1029 = arith.constant 1.000000e+00 : f32
    %jit3A_1030 = arith.constant 0.000000e+00 : f32
    %broadcast_in_dim3A_1031 = vector.broadcast %jit3A_1029 : f32 to vector<512x32xf32>
    %broadcast_in_dim3A_1032 = vector.broadcast %jit3A_1030 : f32 to vector<512x32xf32>
    %select_n3A_1033 = arith.select %le3A_1028, %broadcast_in_dim3A_1031, %broadcast_in_dim3A_1032 : vector<512x32xi1>, vector<512x32xf32>
    %add3A_1034 = arith.addf %add3A_1018, %select_n3A_1033 : vector<512x32xf32>
    %mul3A_1035 = arith.constant 5.000000e-01 : f32
    %mul3A_1036 = vector.broadcast %mul3A_1035 : f32 to vector<512x32xf32>
    %mul3A_1037 = arith.mulf %floor3A_1022, %mul3A_1036 : vector<512x32xf32>
    %floor3A_1038 = math.floor %mul3A_1037 : vector<512x32xf32>
    %mul3A_1039 = arith.constant 2.000000e+00 : f32
    %mul3A_1040 = vector.broadcast %mul3A_1039 : f32 to vector<512x32xf32>
    %mul3A_1041 = arith.mulf %mul3A_1040, %floor3A_1038 : vector<512x32xf32>
    %sub3A_1042 = arith.subf %floor3A_1022, %mul3A_1041 : vector<512x32xf32>
    %add3A_1043 = arith.addf %add3A_1027, %sub3A_1042 : vector<512x32xf32>
    %le3A_1044 = arith.cmpf ole, %add3A_1043, %sub3A_903 : vector<512x32xf32>
    %jit3A_1045 = arith.constant 1.000000e+00 : f32
    %jit3A_1046 = arith.constant 0.000000e+00 : f32
    %broadcast_in_dim3A_1047 = vector.broadcast %jit3A_1045 : f32 to vector<512x32xf32>
    %broadcast_in_dim3A_1048 = vector.broadcast %jit3A_1046 : f32 to vector<512x32xf32>
    %select_n3A_1049 = arith.select %le3A_1044, %broadcast_in_dim3A_1047, %broadcast_in_dim3A_1048 : vector<512x32xi1>, vector<512x32xf32>
    %add3A_1050 = arith.addf %add3A_1034, %select_n3A_1049 : vector<512x32xf32>
    %mul3A_1051 = arith.constant 5.000000e-01 : f32
    %mul3A_1052 = vector.broadcast %mul3A_1051 : f32 to vector<512x32xf32>
    %mul3A_1053 = arith.mulf %floor3A_1038, %mul3A_1052 : vector<512x32xf32>
    %floor3A_1054 = math.floor %mul3A_1053 : vector<512x32xf32>
    %mul3A_1055 = arith.constant 2.000000e+00 : f32
    %mul3A_1056 = vector.broadcast %mul3A_1055 : f32 to vector<512x32xf32>
    %mul3A_1057 = arith.mulf %mul3A_1056, %floor3A_1054 : vector<512x32xf32>
    %sub3A_1058 = arith.subf %floor3A_1038, %mul3A_1057 : vector<512x32xf32>
    %add3A_1059 = arith.addf %add3A_1043, %sub3A_1058 : vector<512x32xf32>
    %le3A_1060 = arith.cmpf ole, %add3A_1059, %sub3A_903 : vector<512x32xf32>
    %jit3A_1061 = arith.constant 1.000000e+00 : f32
    %jit3A_1062 = arith.constant 0.000000e+00 : f32
    %broadcast_in_dim3A_1063 = vector.broadcast %jit3A_1061 : f32 to vector<512x32xf32>
    %broadcast_in_dim3A_1064 = vector.broadcast %jit3A_1062 : f32 to vector<512x32xf32>
    %select_n3A_1065 = arith.select %le3A_1060, %broadcast_in_dim3A_1063, %broadcast_in_dim3A_1064 : vector<512x32xi1>, vector<512x32xf32>
    %add3A_1066 = arith.addf %add3A_1050, %select_n3A_1065 : vector<512x32xf32>
    %mul3A_1067 = arith.constant 5.000000e-01 : f32
    %mul3A_1068 = vector.broadcast %mul3A_1067 : f32 to vector<512x32xf32>
    %mul3A_1069 = arith.mulf %floor3A_1054, %mul3A_1068 : vector<512x32xf32>
    %floor3A_1070 = math.floor %mul3A_1069 : vector<512x32xf32>
    %mul3A_1071 = arith.constant 2.000000e+00 : f32
    %mul3A_1072 = vector.broadcast %mul3A_1071 : f32 to vector<512x32xf32>
    %mul3A_1073 = arith.mulf %mul3A_1072, %floor3A_1070 : vector<512x32xf32>
    %sub3A_1074 = arith.subf %floor3A_1054, %mul3A_1073 : vector<512x32xf32>
    %add3A_1075 = arith.addf %add3A_1059, %sub3A_1074 : vector<512x32xf32>
    %le3A_1076 = arith.cmpf ole, %add3A_1075, %sub3A_903 : vector<512x32xf32>
    %jit3A_1077 = arith.constant 1.000000e+00 : f32
    %jit3A_1078 = arith.constant 0.000000e+00 : f32
    %broadcast_in_dim3A_1079 = vector.broadcast %jit3A_1077 : f32 to vector<512x32xf32>
    %broadcast_in_dim3A_1080 = vector.broadcast %jit3A_1078 : f32 to vector<512x32xf32>
    %select_n3A_1081 = arith.select %le3A_1076, %broadcast_in_dim3A_1079, %broadcast_in_dim3A_1080 : vector<512x32xi1>, vector<512x32xf32>
    %add3A_1082 = arith.addf %add3A_1066, %select_n3A_1081 : vector<512x32xf32>
    %mul3A_1083 = arith.constant 5.000000e-01 : f32
    %mul3A_1084 = vector.broadcast %mul3A_1083 : f32 to vector<512x32xf32>
    %mul3A_1085 = arith.mulf %floor3A_1070, %mul3A_1084 : vector<512x32xf32>
    %floor3A_1086 = math.floor %mul3A_1085 : vector<512x32xf32>
    %mul3A_1087 = arith.constant 2.000000e+00 : f32
    %mul3A_1088 = vector.broadcast %mul3A_1087 : f32 to vector<512x32xf32>
    %mul3A_1089 = arith.mulf %mul3A_1088, %floor3A_1086 : vector<512x32xf32>
    %sub3A_1090 = arith.subf %floor3A_1070, %mul3A_1089 : vector<512x32xf32>
    %add3A_1091 = arith.addf %add3A_1075, %sub3A_1090 : vector<512x32xf32>
    %le3A_1092 = arith.cmpf ole, %add3A_1091, %sub3A_903 : vector<512x32xf32>
    %jit3A_1093 = arith.constant 1.000000e+00 : f32
    %jit3A_1094 = arith.constant 0.000000e+00 : f32
    %broadcast_in_dim3A_1095 = vector.broadcast %jit3A_1093 : f32 to vector<512x32xf32>
    %broadcast_in_dim3A_1096 = vector.broadcast %jit3A_1094 : f32 to vector<512x32xf32>
    %select_n3A_1097 = arith.select %le3A_1092, %broadcast_in_dim3A_1095, %broadcast_in_dim3A_1096 : vector<512x32xi1>, vector<512x32xf32>
    %add3A_1098 = arith.addf %add3A_1082, %select_n3A_1097 : vector<512x32xf32>
    %mul3A_1099 = arith.constant 5.000000e-01 : f32
    %mul3A_1100 = vector.broadcast %mul3A_1099 : f32 to vector<512x32xf32>
    %mul3A_1101 = arith.mulf %floor3A_1086, %mul3A_1100 : vector<512x32xf32>
    %floor3A_1102 = math.floor %mul3A_1101 : vector<512x32xf32>
    %mul3A_1103 = arith.constant 2.000000e+00 : f32
    %mul3A_1104 = vector.broadcast %mul3A_1103 : f32 to vector<512x32xf32>
    %mul3A_1105 = arith.mulf %mul3A_1104, %floor3A_1102 : vector<512x32xf32>
    %sub3A_1106 = arith.subf %floor3A_1086, %mul3A_1105 : vector<512x32xf32>
    %add3A_1107 = arith.addf %add3A_1091, %sub3A_1106 : vector<512x32xf32>
    %le3A_1108 = arith.cmpf ole, %add3A_1107, %sub3A_903 : vector<512x32xf32>
    %jit3A_1109 = arith.constant 1.000000e+00 : f32
    %jit3A_1110 = arith.constant 0.000000e+00 : f32
    %broadcast_in_dim3A_1111 = vector.broadcast %jit3A_1109 : f32 to vector<512x32xf32>
    %broadcast_in_dim3A_1112 = vector.broadcast %jit3A_1110 : f32 to vector<512x32xf32>
    %select_n3A_1113 = arith.select %le3A_1108, %broadcast_in_dim3A_1111, %broadcast_in_dim3A_1112 : vector<512x32xi1>, vector<512x32xf32>
    %add3A_1114 = arith.addf %add3A_1098, %select_n3A_1113 : vector<512x32xf32>
    %mul3A_1115 = arith.constant 5.000000e-01 : f32
    %mul3A_1116 = vector.broadcast %mul3A_1115 : f32 to vector<512x32xf32>
    %mul3A_1117 = arith.mulf %floor3A_1102, %mul3A_1116 : vector<512x32xf32>
    %floor3A_1118 = math.floor %mul3A_1117 : vector<512x32xf32>
    %mul3A_1119 = arith.constant 2.000000e+00 : f32
    %mul3A_1120 = vector.broadcast %mul3A_1119 : f32 to vector<512x32xf32>
    %mul3A_1121 = arith.mulf %mul3A_1120, %floor3A_1118 : vector<512x32xf32>
    %sub3A_1122 = arith.subf %floor3A_1102, %mul3A_1121 : vector<512x32xf32>
    %add3A_1123 = arith.addf %add3A_1107, %sub3A_1122 : vector<512x32xf32>
    %le3A_1124 = arith.cmpf ole, %add3A_1123, %sub3A_903 : vector<512x32xf32>
    %jit3A_1125 = arith.constant 1.000000e+00 : f32
    %jit3A_1126 = arith.constant 0.000000e+00 : f32
    %broadcast_in_dim3A_1127 = vector.broadcast %jit3A_1125 : f32 to vector<512x32xf32>
    %broadcast_in_dim3A_1128 = vector.broadcast %jit3A_1126 : f32 to vector<512x32xf32>
    %select_n3A_1129 = arith.select %le3A_1124, %broadcast_in_dim3A_1127, %broadcast_in_dim3A_1128 : vector<512x32xi1>, vector<512x32xf32>
    %add3A_1130 = arith.addf %add3A_1114, %select_n3A_1129 : vector<512x32xf32>
    %mul3A_1131 = arith.constant 5.000000e-01 : f32
    %mul3A_1132 = vector.broadcast %mul3A_1131 : f32 to vector<512x32xf32>
    %mul3A_1133 = arith.mulf %floor3A_1118, %mul3A_1132 : vector<512x32xf32>
    %floor3A_1134 = math.floor %mul3A_1133 : vector<512x32xf32>
    %mul3A_1135 = arith.constant 2.000000e+00 : f32
    %mul3A_1136 = vector.broadcast %mul3A_1135 : f32 to vector<512x32xf32>
    %mul3A_1137 = arith.mulf %mul3A_1136, %floor3A_1134 : vector<512x32xf32>
    %sub3A_1138 = arith.subf %floor3A_1118, %mul3A_1137 : vector<512x32xf32>
    %add3A_1139 = arith.addf %add3A_1123, %sub3A_1138 : vector<512x32xf32>
    %le3A_1140 = arith.cmpf ole, %add3A_1139, %sub3A_903 : vector<512x32xf32>
    %jit3A_1141 = arith.constant 1.000000e+00 : f32
    %jit3A_1142 = arith.constant 0.000000e+00 : f32
    %broadcast_in_dim3A_1143 = vector.broadcast %jit3A_1141 : f32 to vector<512x32xf32>
    %broadcast_in_dim3A_1144 = vector.broadcast %jit3A_1142 : f32 to vector<512x32xf32>
    %select_n3A_1145 = arith.select %le3A_1140, %broadcast_in_dim3A_1143, %broadcast_in_dim3A_1144 : vector<512x32xi1>, vector<512x32xf32>
    %add3A_1146 = arith.addf %add3A_1130, %select_n3A_1145 : vector<512x32xf32>
    %mul3A_1147 = arith.constant 5.000000e-01 : f32
    %mul3A_1148 = vector.broadcast %mul3A_1147 : f32 to vector<512x32xf32>
    %mul3A_1149 = arith.mulf %floor3A_1134, %mul3A_1148 : vector<512x32xf32>
    %floor3A_1150 = math.floor %mul3A_1149 : vector<512x32xf32>
    %mul3A_1151 = arith.constant 2.000000e+00 : f32
    %mul3A_1152 = vector.broadcast %mul3A_1151 : f32 to vector<512x32xf32>
    %mul3A_1153 = arith.mulf %mul3A_1152, %floor3A_1150 : vector<512x32xf32>
    %sub3A_1154 = arith.subf %floor3A_1134, %mul3A_1153 : vector<512x32xf32>
    %add3A_1155 = arith.addf %add3A_1139, %sub3A_1154 : vector<512x32xf32>
    %le3A_1156 = arith.cmpf ole, %add3A_1155, %sub3A_903 : vector<512x32xf32>
    %jit3A_1157 = arith.constant 1.000000e+00 : f32
    %jit3A_1158 = arith.constant 0.000000e+00 : f32
    %broadcast_in_dim3A_1159 = vector.broadcast %jit3A_1157 : f32 to vector<512x32xf32>
    %broadcast_in_dim3A_1160 = vector.broadcast %jit3A_1158 : f32 to vector<512x32xf32>
    %select_n3A_1161 = arith.select %le3A_1156, %broadcast_in_dim3A_1159, %broadcast_in_dim3A_1160 : vector<512x32xi1>, vector<512x32xf32>
    %add3A_1162 = arith.addf %add3A_1146, %select_n3A_1161 : vector<512x32xf32>
    %mul3A_1163 = arith.constant 1.600000e+01 : f32
    %mul3A_1164 = vector.broadcast %mul3A_1163 : f32 to vector<512x32xf32>
    %mul3A_1165 = arith.mulf %concatenate3A_897, %mul3A_1164 : vector<512x32xf32>
    %add3A_1166 = arith.addf %mul3A_1165, %add3A_1162 : vector<512x32xf32>
    %iota3A_1167 = tpu.iota {dimensions = array<i32: 1>} : vector<1x32xi32>
    %convert_element_type3A_1168 = arith.sitofp %iota3A_1167 : vector<1x32xi32> to vector<1x32xf32>
    %lt3A_1169 = vector.broadcast %convert_element_type3A_1168 : vector<1x32xf32> to vector<512x32xf32>
    %lt3A_1170 = vector.broadcast %slice3A_100 : vector<512x1xf32> to vector<512x32xf32>
    %lt3A_1171 = arith.cmpf olt, %lt3A_1169, %lt3A_1170 : vector<512x32xf32>
    %slice3A_1172 = vector.extract_strided_slice %add3A_1166 {offsets = [0, 0], sizes = [512, 1], strides = [1, 1]} : vector<512x32xf32> to vector<512x1xf32>
    %broadcast_in_dim3A_1173 = vector.shape_cast %slice3A_1172 : vector<512x1xf32> to vector<512x1xf32>
    %broadcast_in_dim3A_1174 = vector.broadcast %broadcast_in_dim3A_1173 : vector<512x1xf32> to vector<512x32xf32>
    %select_n3A_1175 = arith.select %lt3A_1171, %add3A_1166, %broadcast_in_dim3A_1174 : vector<512x32xi1>, vector<512x32xf32>
    %gt3A_1176 = arith.constant 0.000000e+00 : f32
    %gt3A_1177 = vector.broadcast %gt3A_1176 : f32 to vector<512x1xf32>
    %gt3A_1178 = arith.cmpf ogt, %slice3A_100, %gt3A_1177 : vector<512x1xf32>
    %jit3A_1179 = arith.constant 0.000000e+00 : f32
    %broadcast_in_dim3A_1180 = vector.shape_cast %gt3A_1178 : vector<512x1xi1> to vector<512x1xi1>
    %broadcast_in_dim3A_1181 = vector.broadcast %broadcast_in_dim3A_1180 : vector<512x1xi1> to vector<512x32xi1>
    %broadcast_in_dim3A_1182 = vector.broadcast %jit3A_1179 : f32 to vector<512x32xf32>
    %select_n3A_1183 = arith.select %broadcast_in_dim3A_1181, %select_n3A_1175, %broadcast_in_dim3A_1182 : vector<512x32xi1>, vector<512x32xf32>
    %convert_element_type3A_1184 = arith.fptosi %select_n3A_1183 : vector<512x32xf32> to vector<512x32xi32>
    %mul3A_1185 = arith.constant 4096 : i32
    %mul3A_1186 = arith.muli %arg0, %mul3A_1185 : i32
    %add3A_1187 = vector.broadcast %mul3A_1186 : i32 to vector<512x32xi32>
    %add3A_1188 = arith.addi %convert_element_type3A_1184, %add3A_1187 : vector<512x32xi32>
    %swap3A_1189 = arith.constant 0 : index
    %swap3A_1190 = arith.constant 0 : index
    %swap3A_1191 = arith.constant 0 : index
    %swap3A_1192 = vector.load %arg6[%swap3A_1189, %swap3A_1190, %swap3A_1191] : memref<1x512x32xi32, #tpu.memory_space<vmem>>, vector<1x512x32xi32>
    %swap3A_1193 = vector.shape_cast %swap3A_1192 : vector<1x512x32xi32> to vector<512x32xi32>
    %swap3A_1194 = vector.shape_cast %add3A_1188 : vector<512x32xi32> to vector<1x512x32xi32>
    tpu.vector_store %arg6[%swap3A_1189, %swap3A_1190, %swap3A_1191], %swap3A_1194 {strides = array<i32>} : memref<1x512x32xi32, #tpu.memory_space<vmem>>, vector<1x512x32xi32>,
    return
  }
  func.func @transform_0(%arg0: i32, %arg1: i32) -> (i32, i32, i32) {
    %c0_i32 = arith.constant 0 : i32
    %c0_i32_0 = arith.constant 0 : i32
    return %arg0, %arg1, %c0_i32 : i32, i32, i32
  }
  func.func @transform_1(%arg0: i32, %arg1: i32) -> (i32, i32, i32) {
    %c0_i32 = arith.constant 0 : i32
    %c0_i32_0 = arith.constant 0 : i32
    %c0_i32_1 = arith.constant 0 : i32
    return %arg0, %c0_i32, %c0_i32_0 : i32, i32, i32
  }
  func.func @transform_2(%arg0: i32, %arg1: i32) -> (i32, i32, i32) {
    %c0_i32 = arith.constant 0 : i32
    %c0_i32_0 = arith.constant 0 : i32
    return %arg0, %arg1, %c0_i32 : i32, i32, i32
  }
  func.func @transform_3(%arg0: i32, %arg1: i32) -> (i32, i32, i32) {
    %c0_i32 = arith.constant 0 : i32
    %c0_i32_0 = arith.constant 0 : i32
    return %arg0, %arg1, %c0_i32 : i32, i32, i32
  }
  func.func @transform_4(%arg0: i32, %arg1: i32) -> (i32, i32, i32) {
    %c0_i32 = arith.constant 0 : i32
    %c0_i32_0 = arith.constant 0 : i32
    return %arg0, %arg1, %c0_i32 : i32, i32, i32
  }
  func.func @transform_5(%arg0: i32, %arg1: i32) -> (i32, i32, i32) {
    %c0_i32 = arith.constant 0 : i32
    %c0_i32_0 = arith.constant 0 : i32
    return %arg0, %arg1, %c0_i32 : i32, i32, i32
  }
}

module attributes {stable_mosaic.version = 14 : i64} {
  func.func @_finalize_body(%arg0: i32, %arg1: i32, %arg2: memref<1x4096x64xi32, #tpu.memory_space<vmem>>, %arg3: memref<1x3x128xf32, #tpu.memory_space<vmem>>, %arg4: memref<1x67x4096xf32, #tpu.memory_space<vmem>>, %arg5: memref<128x4096xbf16, #tpu.memory_space<vmem>>) attributes {dimension_semantics = [#tpu.dimension_semantics<arbitrary>, #tpu.dimension_semantics<arbitrary>], iteration_bounds = array<i64: 4, 8>, scalar_prefetch = 0 : i64, scratch_operands = 1 : i64, tpu.core_type = #tpu.core_type<tc>, window_params = [{transform_indices = @transform_0, window_bounds = array<i64: 1, 4096, 64>}, {transform_indices = @transform_1, window_bounds = array<i64: 1, 3, 128>}, {transform_indices = @transform_2, window_bounds = array<i64: 1, 67, 4096>}]} {
    %eq3A = arith.constant 0 : i32
    %eq3A_0 = arith.cmpi eq, %arg0, %eq3A : i32
    %eq3A_1 = arith.constant 0 : i32
    %eq3A_2 = arith.cmpi eq, %arg1, %eq3A_1 : i32
    %and3A = arith.andi %eq3A_0, %eq3A_2 : i1
    %convert_element_type3A = arith.extui %and3A : i1 to i32
    %cond3A = arith.constant 0 : i32
    %cond3A_3 = arith.cmpi ne, %convert_element_type3A, %cond3A : i32
    scf.if %cond3A_3 {
      %iota3A = tpu.iota {dimensions = array<i32: 0>} : vector<128x4096xi32>
      %iota3A_35 = tpu.iota {dimensions = array<i32: 1>} : vector<128x4096xi32>
      %jit3A = arith.constant 32 : i32
      %div3A = vector.broadcast %jit3A : i32 to vector<128x4096xi32>
      %div3A_36 = arith.divsi %iota3A_35, %div3A : vector<128x4096xi32>
      %sign3A = arith.constant 0 : i32
      %sign3A_37 = vector.broadcast %sign3A : i32 to vector<128x4096xi32>
      %sign3A_38 = arith.cmpi sgt, %iota3A_35, %sign3A_37 : vector<128x4096xi32>
      %sign3A_39 = arith.extui %sign3A_38 : vector<128x4096xi1> to vector<128x4096xi32>
      %sign3A_40 = arith.constant 0 : i32
      %sign3A_41 = vector.broadcast %sign3A_40 : i32 to vector<128x4096xi32>
      %sign3A_42 = arith.cmpi slt, %iota3A_35, %sign3A_41 : vector<128x4096xi32>
      %sign3A_43 = arith.extui %sign3A_42 : vector<128x4096xi1> to vector<128x4096xi32>
      %sign3A_44 = arith.subi %sign3A_39, %sign3A_43 : vector<128x4096xi32>
      %sign3A_45 = arith.constant 0 : i32
      %sign3A_46 = arith.cmpi sgt, %jit3A, %sign3A_45 : i32
      %sign3A_47 = arith.extui %sign3A_46 : i1 to i32
      %sign3A_48 = arith.constant 0 : i32
      %sign3A_49 = arith.cmpi slt, %jit3A, %sign3A_48 : i32
      %sign3A_50 = arith.extui %sign3A_49 : i1 to i32
      %sign3A_51 = arith.subi %sign3A_47, %sign3A_50 : i32
      %ne3A = vector.broadcast %sign3A_51 : i32 to vector<128x4096xi32>
      %ne3A_52 = arith.cmpi ne, %sign3A_44, %ne3A : vector<128x4096xi32>
      %rem3A = vector.broadcast %jit3A : i32 to vector<128x4096xi32>
      %rem3A_53 = arith.remsi %iota3A_35, %rem3A : vector<128x4096xi32>
      %ne3A_54 = arith.constant 0 : i32
      %ne3A_55 = vector.broadcast %ne3A_54 : i32 to vector<128x4096xi32>
      %ne3A_56 = arith.cmpi ne, %rem3A_53, %ne3A_55 : vector<128x4096xi32>
      %and3A_57 = arith.andi %ne3A_52, %ne3A_56 : vector<128x4096xi1>
      %sub3A_58 = arith.constant 1 : i32
      %sub3A_59 = vector.broadcast %sub3A_58 : i32 to vector<128x4096xi32>
      %sub3A_60 = arith.subi %div3A_36, %sub3A_59 : vector<128x4096xi32>
      %select_n3A = arith.select %and3A_57, %sub3A_60, %div3A_36 : vector<128x4096xi1>, vector<128x4096xi32>
      %eq3A_61 = arith.cmpi eq, %select_n3A, %iota3A : vector<128x4096xi32>
      %convert_element_type3A_62 = arith.extui %eq3A_61 : vector<128x4096xi1> to vector<128x4096xi32>
      %convert_element_type3A_63 = arith.sitofp %convert_element_type3A_62 : vector<128x4096xi32> to vector<128x4096xf32>
      %convert_element_type3A_64 = arith.truncf %convert_element_type3A_63 : vector<128x4096xf32> to vector<128x4096xbf16>
      %swap3A_65 = arith.constant 0 : index
      %swap3A_66 = arith.constant 0 : index
      %swap3A_67 = vector.load %arg5[%swap3A_65, %swap3A_66] : memref<128x4096xbf16, #tpu.memory_space<vmem>>, vector<128x4096xbf16>
      tpu.vector_store %arg5[%swap3A_65, %swap3A_66], %convert_element_type3A_64 {strides = array<i32>} : memref<128x4096xbf16, #tpu.memory_space<vmem>>, vector<128x4096xbf16>,
    } else {
    }
    %get3A = arith.constant 0 : index
    %get3A_4 = arith.constant 0 : index
    %get3A_5 = arith.constant 0 : index
    %get3A_6 = vector.load %arg2[%get3A, %get3A_4, %get3A_5] : memref<1x4096x64xi32, #tpu.memory_space<vmem>>, vector<1x4096x64xi32>
    %get3A_7 = vector.shape_cast %get3A_6 : vector<1x4096x64xi32> to vector<4096x64xi32>
    %transpose3A = tpu.transpose %get3A_7, [1, 0] : vector<4096x64xi32> -> vector<64x4096xi32>
    %shift_left3A = arith.constant 16 : i32
    %shift_left3A_8 = vector.broadcast %shift_left3A : i32 to vector<64x4096xi32>
    %shift_left3A_9 = arith.shli %transpose3A, %shift_left3A_8 : vector<64x4096xi32>
    %bitcast_convert_type3A = tpu.bitcast %shift_left3A_9 : vector<64x4096xi32> -> vector<64x4096xf32>
    %slice3A = vector.extract_strided_slice %transpose3A {offsets = [0, 0], sizes = [3, 4096], strides = [1, 1]} : vector<64x4096xi32> to vector<3x4096xi32>
    %and3A_10 = arith.constant -65536 : i32
    %and3A_11 = vector.broadcast %and3A_10 : i32 to vector<3x4096xi32>
    %and3A_12 = arith.andi %slice3A, %and3A_11 : vector<3x4096xi32>
    %bitcast_convert_type3A_13 = tpu.bitcast %and3A_12 : vector<3x4096xi32> -> vector<3x4096xf32>
    %get3A_14 = arith.constant 0 : index
    %get3A_15 = arith.constant 0 : index
    %get3A_16 = arith.constant 0 : index
    %get3A_17 = vector.load %arg3[%get3A_14, %get3A_15, %get3A_16] : memref<1x3x128xf32, #tpu.memory_space<vmem>>, vector<1x3x128xf32>
    %get3A_18 = vector.shape_cast %get3A_17 : vector<1x3x128xf32> to vector<3x128xf32>
    %convert_element_type3A_19 = arith.truncf %get3A_18 : vector<3x128xf32> to vector<3x128xbf16>
    %get3A_20 = arith.constant 0 : index
    %get3A_21 = arith.constant 0 : index
    %get3A_22 = vector.load %arg5[%get3A_20, %get3A_21] : memref<128x4096xbf16, #tpu.memory_space<vmem>>, vector<128x4096xbf16>
    %dot_general3A = arith.constant dense<0.000000e+00> : vector<3x4096xf32>
    %dot_general3A_23 = tpu.matmul %convert_element_type3A_19, %get3A_22, %dot_general3A {dimension_numbers = #tpu.dot_dimension_numbers<[1], [0], [0], [1], [0, 0, 1, 1], [], []>, transpose_lhs_hint = false} : vector<3x128xbf16>, vector<128x4096xbf16>, vector<3x4096xf32> -> vector<3x4096xf32>
    %sub3A = arith.subf %bitcast_convert_type3A_13, %dot_general3A_23 : vector<3x4096xf32>
    %swap3A = arith.constant 0 : index
    %swap3A_24 = arith.constant 0 : index
    %swap3A_25 = arith.constant 0 : index
    %swap3A_26 = vector.load %arg4[%swap3A, %swap3A_24, %swap3A_25] : memref<1x67x4096xf32, #tpu.memory_space<vmem>>, vector<1x3x4096xf32>
    %swap3A_27 = vector.shape_cast %swap3A_26 : vector<1x3x4096xf32> to vector<3x4096xf32>
    %swap3A_28 = vector.shape_cast %sub3A : vector<3x4096xf32> to vector<1x3x4096xf32>
    tpu.vector_store %arg4[%swap3A, %swap3A_24, %swap3A_25], %swap3A_28 {strides = array<i32>} : memref<1x67x4096xf32, #tpu.memory_space<vmem>>, vector<1x3x4096xf32>,
    %swap3A_29 = arith.constant 0 : index
    %swap3A_30 = arith.constant 3 : index
    %swap3A_31 = arith.constant 0 : index
    %swap3A_32 = vector.load %arg4[%swap3A_29, %swap3A_30, %swap3A_31] : memref<1x67x4096xf32, #tpu.memory_space<vmem>>, vector<1x64x4096xf32>
    %swap3A_33 = vector.shape_cast %swap3A_32 : vector<1x64x4096xf32> to vector<64x4096xf32>
    %swap3A_34 = vector.shape_cast %bitcast_convert_type3A : vector<64x4096xf32> to vector<1x64x4096xf32>
    tpu.vector_store %arg4[%swap3A_29, %swap3A_30, %swap3A_31], %swap3A_34 {strides = array<i32>} : memref<1x67x4096xf32, #tpu.memory_space<vmem>>, vector<1x64x4096xf32>,
    return
  }
  func.func @transform_0(%arg0: i32, %arg1: i32) -> (i32, i32, i32) {
    %c0_i32 = arith.constant 0 : i32
    %c0_i32_0 = arith.constant 0 : i32
    return %arg0, %arg1, %c0_i32 : i32, i32, i32
  }
  func.func @transform_1(%arg0: i32, %arg1: i32) -> (i32, i32, i32) {
    %c0_i32 = arith.constant 0 : i32
    %c0_i32_0 = arith.constant 0 : i32
    return %arg0, %c0_i32, %arg1 : i32, i32, i32
  }
  func.func @transform_2(%arg0: i32, %arg1: i32) -> (i32, i32, i32) {
    %c0_i32 = arith.constant 0 : i32
    %c0_i32_0 = arith.constant 0 : i32
    return %arg0, %c0_i32, %arg1 : i32, i32, i32
  }
}

</mosaic_0001>

<sc_bundles>
// kernel: kernel.5.cloned.1.call-start
scs
__scs_entry_jumppad:
0x0: {  	(pc) =	sbr.rel $0x88, $3  }
0x1: {  	(tag) =	ssettag $0x0;
	lr =	simm.s32 $0x1  }
0x2: {  	[smem:$0x3F9E] =	sst lr;
	_ =	strace $0xD0000000  }
0x3: {  	_ = 	snop  }
0x4: {  	_ = 	snop  }
0x5: {  	_ = 	snop  }
0x6: {  	_ = 	snop  }
0x7: {  	_ = 	snop  }
__scs_overlays_trampoline_lowered:
0x8: {  	[smem:$0x3FAD] =	sst s0  }
0x9: {  	[smem:$0x3FAE] =	sst s1  }
0xa: {  	[smem:$0x3FAF] =	sst s2  }
0xb: {  	[smem:$0x3FB0] =	sst s3  }
0xc: {  	[smem:$0x3FB1] =	sst s4  }
0xd: {  	[smem:$0x3FB2] =	sst s5  }
0xe: {  	[smem:$0x3FB3] =	sst s6  }
0xf: {  	[smem:$0x3FB4] =	sst s7  }
0x10: {  	[smem:$0x3FB5] =	sst s8  }
0x11: {  	[smem:$0x3FB6] =	sst s9;
	s0 =	simm.s32 @!p0 $0x0  }
0x12: {  	s1 =	sld [smem:$0x3F9C];
	s0 =	simm.s32 @p0 $0x1  }
0x13: {  	[smem:$0x3FB7] =	sst s0;
	s0 =	simm.s32 @!p1 $0x0  }
0x14: {  	s2 =	sld [smem:$0x3F9B];
	s0 =	simm.s32 @p1 $0x1  }
0x15: {  	[smem:$0x3FB8] =	sst s0;
	s0 =	simm.s32 @!p2 $0x0  }
0x16: {  	s3 =	sld [smem:$0x3FDB];
	s0 =	simm.s32 @p2 $0x1  }
0x17: {  	s4 =	simm.s32 $0x1BF5;
	[smem:$0x3FBA] =	sst s0  }
0x18: {  	s0 =	sld [smem:$0x3F9D];
	_ =	swait.ge [sflag:s4], $0x0  }
0x19: {  	s7 =	sld [smem:$0x3F9E]  }
0x1a: {  	s8 =	sadd.s32 $0xFFFFE003, lr  }
0x1b: {  	s9 =	sadd.s32 $0xFFFFFEF7, lr;
	s5 =	simm.s32 $0xFFFFFFFF;
	p2 =	slt.u32 s8, $0xFFFFF086  }
0x1c: {  	p1 =	slt.u32 s9, $0xF7A;
	s5 =	simm.s32 @!p2 $0x0  }
0x1d: {  	s5 =	simm.s32 @p1 $0x1;
	p0 =	seq.s32 s7, s2  }
0x1e: {  	s7 =	smul.u32 @!p0 $0xF7A, s2;
	p2 =	seq.s32 @!p0 s5, $0x0  }
0x1f: {  	s9 =	smul.u32 $0xF7A, s1;
	s8 =	simm.s32 @!p0 $0x1BF5;
	p2 =	por !p2, p0  }
0x20: {  	[sflag:s8] =	ssyncset.s32 @!p0 $0xFFFFF086;
	s6 =	sadd.s32 @!p0 s3, s7;
	s7 =	simm.s32 @!p0 $0x108  }
0x21: {  	s3 =	sadd.s32 s3, s9;
	s6 =	sadd.s32 @!p0 $0x88, s6;
	s7 =	simm.s32 @p2 $0x1082  }
0x22: {  	[simem:s7], [sflag:s8] =	dma.local @!p0 [hbm:s6], $0xF7A  }
0x23: {  	s9 =	sor.u32 $0xD0000000, s2;
	s6 =	simm.s32 $0x108;
	_ =	swait.ge @!p0 [sflag:s8], $0x0  }
0x24: {  	s3 =	sadd.s32 $0x88, s3;
	s6 =	simm.s32 @!p1 $0x1082;
	[sflag:s4] =	ssyncset.s32 $0xFFFFF086  }
0x25: {  	[simem:s6], [sflag:s4] =	dma.local [hbm:s3], $0xF7A  }
0x26: {  	[smem:$0x3F9E] =	sst s1;
	(tag) =	ssettag s2;
	_ =	strace s9  }
0x27: {  	s1 =	sld [smem:$0x3FAE]  }
0x28: {  	s2 =	sld [smem:$0x3FAF]  }
0x29: {  	s4 =	sld [smem:$0x3FB1]  }
0x2a: {  	p0 =	seq.s32 s5, $0x0;
	s5 =	sld [smem:$0x3FB2]  }
0x2b: {  	s6 =	sld [smem:$0x3FB3]  }
0x2c: {  	s7 =	sld [smem:$0x3FB4]  }
0x2d: {  	s3 =	simm.s32 $0x108;
	s8 =	sld [smem:$0x3FB5]  }
0x2e: {  	s3 =	simm.s32 @!p0 $0x1082;
	s9 =	sld [smem:$0x3FB6]  }
0x2f: {  	lr =	sadd.s32 s0, s3;
	s0 =	sld [smem:$0x3FAD]  }
0x30: {  	s3 =	sld [smem:$0x3FB0]  }
0x31: {  	[smem:$0x3FB9] =	sst s10  }
0x32: {  	s10 =	sld [smem:$0x3FB7];
	_ =	sdelay $0x3  }
0x33: {  	p0 =	seq.s32 s10, $0x1;
	s10 =	sld [smem:$0x3FB9];
	_ =	sdelay $0x3  }
0x34: {  	[smem:$0x3FB9] =	sst s10  }
0x35: {  	s10 =	sld [smem:$0x3FB8];
	_ =	sdelay $0x3  }
0x36: {  	p1 =	seq.s32 s10, $0x1;
	s10 =	sld [smem:$0x3FB9];
	_ =	sdelay $0x3  }
0x37: {  	[smem:$0x3FB9] =	sst s10  }
0x38: {  	s10 =	sld [smem:$0x3FBA]  }
0x39: {  	_ = 	snop;
	(pc) =	sbr.ind lr, $3  }
0x3a: {  	_ = 	snop  }
0x3b: {  	_ = 	snop  }
0x3c: {  	p2 =	seq.s32 s10, $0x1;
	s10 =	sld [smem:$0x3FB9]  }
0x3d: {  	_ =	shalt  }
0x3e: {  	_ =	shalt  }
0x3f: {  	_ =	shalt  }
0x40: {  	_ =	shalt  }
0x41: {  	_ =	shalt  }
0x42: {  	_ =	shalt  }
0x43: {  	_ =	shalt  }
0x44: {  	_ =	shalt  }
0x45: {  	_ =	shalt  }
0x46: {  	_ =	shalt  }
0x47: {  	_ =	shalt  }
0x48: {  	_ =	shalt  }
0x49: {  	_ =	shalt  }
0x4a: {  	_ =	shalt  }
0x4b: {  	_ =	shalt  }
0x4c: {  	_ =	shalt  }
0x4d: {  	_ =	shalt  }
0x4e: {  	_ =	shalt  }
0x4f: {  	_ =	shalt  }
0x50: {  	_ =	shalt  }
0x51: {  	_ =	shalt  }
0x52: {  	_ =	shalt  }
0x53: {  	_ =	shalt  }
0x54: {  	_ =	shalt  }
0x55: {  	_ =	shalt  }
0x56: {  	_ =	shalt  }
0x57: {  	_ =	shalt  }
0x58: {  	_ =	shalt  }
0x59: {  	_ =	shalt  }
0x5a: {  	_ =	shalt  }
0x5b: {  	_ =	shalt  }
0x5c: {  	_ =	shalt  }
0x5d: {  	_ =	shalt  }
0x5e: {  	_ =	shalt  }
0x5f: {  	_ =	shalt  }
0x60: {  	_ =	shalt  }
0x61: {  	_ =	shalt  }
0x62: {  	_ =	shalt  }
0x63: {  	_ =	shalt  }
0x64: {  	_ =	shalt  }
0x65: {  	_ =	shalt  }
0x66: {  	_ =	shalt  }
0x67: {  	_ =	shalt  }
0x68: {  	_ =	shalt  }
0x69: {  	_ =	shalt  }
0x6a: {  	_ =	shalt  }
0x6b: {  	_ =	shalt  }
0x6c: {  	_ =	shalt  }
0x6d: {  	_ =	shalt  }
0x6e: {  	_ =	shalt  }
0x6f: {  	_ =	shalt  }
0x70: {  	_ =	shalt  }
0x71: {  	_ =	shalt  }
0x72: {  	_ =	shalt  }
0x73: {  	_ =	shalt  }
0x74: {  	_ =	shalt  }
0x75: {  	_ =	shalt  }
0x76: {  	_ =	shalt  }
0x77: {  	_ =	shalt  }
0x78: {  	_ =	shalt  }
0x79: {  	_ =	shalt  }
0x7a: {  	_ =	shalt  }
0x7b: {  	_ =	shalt  }
0x7c: {  	_ =	shalt  }
0x7d: {  	_ =	shalt  }
0x7e: {  	_ =	shalt  }
0x7f: {  	_ =	shalt  }
0x80: {  	_ =	shalt  }
0x81: {  	_ =	shalt  }
0x82: {  	_ =	shalt  }
0x83: {  	_ =	shalt  }
0x84: {  	_ =	shalt  }
0x85: {  	_ =	shalt  }
0x86: {  	_ =	shalt  }
0x87: {  	_ =	shalt  }
.Lfunc_end0:
.L_simem_size_0:
called_computation.1_lowered:
.L_overlay_start_0:
0x88: {  	s2 =	sld [smem:$0x3FD9]  }
0x89: {  	s3 =	sld [smem:$0x3FFE];
	_ =	sdelay $0x1  }
0x8a: {  	s1 =	srdreg.scid  }
0x8b: {  	s0 =	sand.u32 $0x1, s1  }
0x8c: {  	s17 =	sshll.u32 s0, $0xA;
	s2 =	sadd.s32 s3, s2  }
0x8d: {  	s2 =	sadd.s32 s2, s17  }
0x8e: {  	[smem:$0x3FC5] =	sst s2  }
0x8f: {  	_ = 	snop  }
0x90: {  	s2 =	sld [smem:$0x3FD0];
	(tm) =	ssettm $0x1  }
0x91: {  	s18 =	sld [smem:$0x3FFB];
	_ =	sdelay $0x3  }
0x92: {  	_ =	strace s18  }
0x93: {  	s3 =	sld [smem:$0x3FFC];
	_ =	sdelay $0x3  }
0x94: {  	_ =	strace s3  }
0x95: {  	s3 =	sld [smem:$0x3FFD];
	_ =	sdelay $0x3  }
0x96: {  	_ =	strace s3  }
0x97: {  	_ =	strace $0x8FFFFFFF  }
0x98: {  	s19 =	sld [smem:$0x3FDB];
	_ =	sdelay $0x1  }
0x99: {  	s4 =	simm.s32 $_scs_section_size  }
0x9a: {  	s5 =	simm.s32 $_size__tile_overlayer_lowered;
	s6 =	simm.s32 $_tile_overlayer_lowered  }
0x9b: {  	s22 =	simm.s32 $0x1BFF;
	s21 =	sshll.u32 s6, $0x1;
	s3 =	sadd.s32 s4, s19  }
0x9c: {  	s7 =	simm.s32 $0x0;
	s20 =	sshll.u32 s5, $0x1;
	s5 =	sadd.s32 s21, s3  }
0x9d: {  	[timem:s7], [sflag:s22] =	dma.local [hbm:s5], s20  }
0x9e: {  	_ =	swait.ge [sflag:s22], s20  }
0x9f: {  	s4 =	ssub.s32 $0x0, s20;
	[sflag:s22] =	ssyncset.done $0x0  }
0xa0: {  	[sflag:s22] =	ssyncadd.s32 s4;
	_ =	sdelay $0x1  }
0xa1: {  	s23 =	simm.s32 $0x1B8B  }
0xa2: {  	_ =	swait.ge [sflag:s23], $0x1  }
0xa3: {  	[sflag:s23] =	ssyncset.done $0x0  }
0xa4: {  	s25 =	simm.s32 $0x1B8E;
	s24 =	sld [smem:$0x3FFE];
	[sflag:s23] =	ssyncadd.s32 $0xFFFFFFFF  }
0xa5: {  	s26 =	simm.s32 $execute0_lowered;
	[smem:$0x3FD2] =	sst s25  }
0xa6: {  	s5 =	sshll.u32 s26, $0x1;
	_ =	strace $0x80000046;
	[dreg:$0x1] =	wrdreg $0xFFFFFFFF  }
0xa7: {  	s28 =	simm.s32 $_size_execute0_lowered;
	s3 =	sadd.s32 s3, s5;
	[dreg:$0x0] =	wrdreg $0x0  }
0xa8: {  	s5 =	sshll.u32 s28, $0x1;
	[dreg:$0x2] =	wrdreg s3  }
0xa9: {  	[dreg:$0x3] =	wrdreg s5  }
0xaa: {  	[dreg:$0x4] =	wrdreg $0xC0  }
0xab: {  	_ =	task [dreg:s7], $0x5FFFF  }
0xac: {  	[dreg:$0x1] =	wrdreg $0xFFFFFFFF  }
0xad: {  	[dreg:$0x0] =	wrdreg $0x60  }
0xae: {  	[dreg:$0x2] =	wrdreg s24  }
0xaf: {  	[dreg:$0x3] =	wrdreg s2  }
0xb0: {  	[dreg:$0x4] =	wrdreg $0x9  }
0xb1: {  	_ =	task.clear_ibuf [dreg:s7], $0x5FFFF;
	_ =	strace $0x90000046  }
0xb2: {  	s29 =	simm.s32 $0x9;
	_ =	strace $0x8000004F  }
0xb3: {  	_ =	swait.ge [sflag:s29], $0x1  }
0xb4: {  	[sflag:s29] =	ssyncadd.s32 $0xFFFFFFFF  }
0xb5: {  	_ =	strace $0x9000004F  }
0xb6: {  	_ =	sfence  }
0xb7: {  	s30 =	sld [smem:$0x0];
	_ =	sdelay $0x2  }
0xb8: {  	s31 =	sshll.u32 s1, $0xD;
	s1 =	sshrl.u32 s1, $0x2  }
0xb9: {  	s3 =	sand.u32 $0x4000, s31;
	s1 =	sadd.s32 s1, s30  }
0xba: {  	s0 =	sor.u32 s3, s0;
	s1 =	sshll.u32 s1, $0x11  }
0xbb: {  	s0 =	sor.u32 s1, s0  }
0xbc: {  	s0 =	sadd.s32 $0x8F2B, s0  }
0xbd: {  	[sflag:s0] =	ssyncadd.remote.s32 $0x1  }
0xbe: {  	_ =	sfence.sel $0xFFFF  }
0xbf: {  	[dreg:$0x0] =	wrdreg $0xFFFFFFFF;
	(pc) =	sbr.abs _section_cstart, $3  }
0xc0: {  	[dreg:$0x1] =	wrdreg $0xFFFFFFFF  }
0xc1: {  	_ =	task.clear_ibuf [dreg:s7], $0x2FFFF;
	_ =	strace $0x9FFFFFFF  }
0xc2: {  	(tm) =	ssettm $0x7FFFFFFF  }
0xc3: {  	_ =	shalt  }
tec
execute0_lowered:
.L_overlay_start_1:
0x0: {  	(tag) =	ssettag $0x1  }
0x1: {  	s3 =	rddreg [dreg:$0x0]  }
0x2: {  	s0 =	rddreg [dreg:$0x1]  }
0x3: {  	s1 =	simm.s32 $0x0;
	[dreg:$0x5] =	wrdreg s0  }
0x4: {  	s2 =	srdreg.scid;
	s8 =	simm.s32 $0x80;
	s0 =	rddreg [dreg:$0x2]  }
0x5: {  	s9 =	simm.s32 $0x4;
	s10 =	simm.s32 $0x0;
	[smem:$0x7FF] =	sst s1  }
0x6: {  	s4 =	sadd.s32 $0xE00, s3;
	s5 =	sand.u32 $0x1, s2;
	s2 =	stileid.u32  }
0x7: {  	s3 =	sadd.s32 $0x20E00, s3;
	_ =	strace $0x80000047;
	[dreg:$0x3] =	wrdreg s4  }
0x8: {  	s6 =	ssub.s32 $0x2, s5;
	s5 =	sshll.u32 s5, $0x4;
	[dreg:$0x4] =	wrdreg s8  }
0x9: {  	s8 =	simm.s32 $0x5;
	s31 =	sshrl.u32 s6, $0x1;
	s5 =	sor.u32 s2, s5  }
0xa: {  	s6 =	ssub.s32 s6, s31;
	s7 =	sshll.u32 s5, $0x9;
	s4 =	sshll.u32 s5, $0x5  }
0xb: {  	s5 =	sadd.s32 s3, s7;
	s6 =	smax.u32 s6, $0x1;
	s7 =	simm.s32 $0x1  }
.LBB2_1:
0xc: {  	_ =	strace $0x80000048;
	s11 =	simm.s32 $0x1;
	p0 =	por $0x0, $0x0  }
0xd: {  	[tilespmem:s1], [sflag:$0x1] =	stream.linear.gather [hbm4b:s5+s1], $0x80, $0x200038;
	[tilespmem:$0x4100] =	vst v63  }
0xe: {  	s11 =	simm.s32 @p0 $0x0  }
0xf: {  	p4 =	por $0x1, $0x1;
	s20 =	sand.u32 $0x1, s1;
	p1 =	sne.s32 s11, $0x0  }
0x10: {  	p2 =	por $0x1, $0x1;
	s18 =	simm.s32 $0x1E;
	p0 =	por !p4, !p1  }
0x11: {  	s16 =	simm.s32 $0x0;
	p5 =	por $0x0, $0x0;
	p0 =	por !p0, !p0  }
0x12: {  	s23 =	sadd.s32 $0x0, s4;
	s30 =	sadd.s32 $0x1, s20;
	s12 =	sadd.s32 @p0 s4, s11  }
0x13: {  	_ =	strace $0x90000048;
	s13 =	sand.u32 @p0 $0x1, s7;
	s12 =	sshll.u32 @p0 s12, $0x4  }
0x14: {  	_ =	strace @p0 $0x80000049;
	s15 =	simm.s32 @p0 $0x0;
	s12 =	sand.u32 @p0 $0x1FFFFFF0, s12  }
0x15: {  	s14 =	sshll.u32 @p0 s13, $0x7;
	s13 =	sadd.s32 @p0 $0x1, s13;
	s12 =	sadd.s32 @p0 s3, s12  }
0x16: {  	[tilespmem:s14], [sflag:s13] =	stream.linear.gather @p0 [hbm4b:s12+s15], $0x80, $0x200038;
	[tilespmem:$0x4100] =	vst v63  }
0x17: {  	p3 =	por p2, p2;
	s21 =	sshll.u32 s20, $0xD;
	_ =	strace @p0 $0x90000049  }
0x18: {  	s16 =	sand.u32 $0x80, s16;
	p2 =	por p5, p5;
	_ =	strace $0x8000004A  }
0x19: {  	s17 =	sadd.s32 $0x1, s11;
	s22 =	sor.u32 $0x100, s21;
	_ =	swait.ge [sflag:s30], $0x80  }
0x1a: {  	s21 =	simm.s32 $0x1;
	p6 =	por p1, p1;
	[sflag:s30] =	ssyncset.done $0x0  }
0x1b: {  	p1 =	por p3, p3;
	p4 =	por $0x1, $0x1;
	[sflag:s30] =	ssyncadd.s32 $0xFFFFFF80  }
0x1c: {  	s12 =	simm.s32 $0x1F;
	s15 =	sand.u32 @!p3 $0x1, s1;
	_ =	strace $0x9000004A  }
0x1d: {  	s13 =	simm.s32 $0x1;
	p3 =	seq.s32 s17, $0x20;
	_ =	strace $0x8000004B  }
0x1e: {  	s13 =	simm.s32 @!p0 $0x0;
	s17 =	simm.s32 @p3 $0x0;
	s19 =	rddreg [dreg:$0x4]  }
0x1f: {  	p0 =	por $0x0, $0x0;
	s14 =	sadd.s32 $0x1, s13;
	s31 =	rddreg [dreg:$0x3]  }
0x20: {  	[tilespmem:s22], [sflag:$0x5] =	stream.indirect.gather [hbm4b:s31+s19], $0x40, s16, s19, $0x2000b8;
	[tilespmem:$0x4100] =	vst v63  }
0x21: {  	p3 =	sne.s32 s11, s17;
	s21 =	simm.s32 @!p0 $0x0;
	_ =	swait.ge [sflag:s8], $0x2000  }
0x22: {  	p5 =	por !p4, !p3;
	p4 =	por $0x0, $0x0;
	[sflag:s8] =	ssyncset.done $0x0  }
0x23: {  	s13 =	simm.s32 $0x0;
	p6 =	por p4, p6;
	[sflag:s8] =	ssyncadd.s32 $0xFFFFE000  }
0x24: {  	s16 =	simm.s32 $0x0;
	s19 =	simm.s32 $0x0;
	_ =	strace $0x9000004B  }
.LBB2_2:
0x25: {  	_ =	strace @p6 $0x8000004C;
	s13 =	sadd.s32 s21, s13;
	s21 =	smov.u32 s12  }
0x26: {  	s12 =	smov.u32 s18;
	s18 =	sadd.s32 $0xFFFFFFFF, s18;
	p0 =	por p3, p3  }
0x27: {  	s28 =	sshll.u32 @p6 s23, $0xA;
	s20 =	sadd.s32 @p6 $0x3, s20;
	s24 =	simm.s32 @!p0 $0x0  }
0x28: {  	s25 =	rddreg [dreg:$0x5];
	s28 =	sand.u32 @p6 $0x1FFFFC00, s28;
	s24 =	simm.s32 @p0 $0x1  }
0x29: {  	s25 =	sadd.s32 @p6 s25, s28;
	s28 =	simm.s32 @p6 $0x0;
	p0 =	sne.s32 s18, $0x0  }
0x2a: {  	[hbm4b:s25+s28] =	stream.linear.scatter @p6 [tilespmem:s22], [sflag:s20], $0x2000, $0x200038;
	[tilespmem:$0x4100] =	vst v63  }
0x2b: {  	s20 =	sadd.s32 @!p1 $0x3, s15;
	s15 =	simm.s32 @!p0 $0x0  }
0x2c: {  	s26 =	simm.s32 $0x1;
	[smem:$0x7FC] =	sst s24;
	s15 =	simm.s32 @p0 $0x1  }
0x2d: {  	s26 =	simm.s32 @!p6 $0x0;
	_ =	strace @p6 $0x9000004C;
	[smem:$0x7FD] =	sst s15  }
0x2e: {  	p5 =	por !p5, !p5;
	s19 =	sadd.s32 s26, s19;
	_ =	strace @!p1 $0x8000004D  }
0x2f: {  	s24 =	sand.u32 @!p2 $0x1, s13;
	s22 =	sand.u32 @p5 $0x1, s14;
	_ =	swait.ge @!p1 [sflag:s20], $0x2000  }
0x30: {  	s15 =	smov.u32 s24;
	s24 =	sadd.s32 @p5 s4, s17;
	[sflag:s20] =	ssyncset.done @!p1 $0x0  }
0x31: {  	s25 =	sshll.u32 @p5 s22, $0x7;
	s24 =	sshll.u32 @p5 s24, $0x4;
	[sflag:s20] =	ssyncadd.s32 @!p1 $0xFFFFE000  }
0x32: {  	s20 =	sadd.s32 @p5 $0x1, s22;
	s22 =	sand.u32 @p5 $0x1FFFFFF0, s24;
	_ =	strace @!p1 $0x9000004D  }
0x33: {  	s24 =	simm.s32 @p5 $0x0;
	s22 =	sadd.s32 @p5 s3, s22;
	_ =	strace @p5 $0x80000049  }
0x34: {  	[tilespmem:s25], [sflag:s20] =	stream.linear.gather @p5 [hbm4b:s22+s24], $0x80, $0x200038;
	[tilespmem:$0x4100] =	vst v63  }
0x35: {  	s16 =	sadd.s32 s26, s16;
	s26 =	sand.u32 $0x1, s19;
	_ =	strace @p5 $0x90000049  }
0x36: {  	s24 =	sadd.s32 $0x1, s26;
	_ =	strace $0x8000004A  }
0x37: {  	_ =	swait.ge [sflag:s24], $0x80  }
0x38: {  	[sflag:s24] =	ssyncset.done $0x0  }
0x39: {  	s20 =	simm.s32 $0x1;
	[sflag:s24] =	ssyncadd.s32 $0xFFFFFF80  }
0x3a: {  	s20 =	simm.s32 @!p5 $0x0;
	_ =	strace $0x9000004A  }
0x3b: {  	s14 =	sadd.s32 s20, s14;
	s20 =	sand.u32 $0x1, s16;
	_ =	strace $0x8000004B  }
0x3c: {  	s29 =	sshll.u32 s19, $0x7;
	s25 =	sshll.u32 s20, $0xD;
	s26 =	rddreg [dreg:$0x4]  }
0x3d: {  	s29 =	sand.u32 $0x80, s29;
	s22 =	sor.u32 $0x100, s25;
	s30 =	rddreg [dreg:$0x3]  }
0x3e: {  	[tilespmem:s22], [sflag:$0x5] =	stream.indirect.gather [hbm4b:s30+s26], $0x40, s29, s26, $0x2000b8;
	[tilespmem:$0x4100] =	vst v63  }
0x3f: {  	_ =	swait.ge [sflag:s8], $0x2000  }
0x40: {  	s31 =	sadd.s32 $0x1, s17;
	[sflag:s8] =	ssyncset.done $0x0  }
0x41: {  	s23 =	sadd.s32 s4, s11;
	s11 =	smov.u32 s17;
	[sflag:s8] =	ssyncadd.s32 $0xFFFFE000  }
0x42: {  	p3 =	seq.s32 s31, $0x20;
	s17 =	smov.u32 s31;
	_ =	strace $0x9000004B  }
0x43: {  	s17 =	simm.s32 @p3 $0x0;
	s31 =	sld [smem:$0x7FD]  }
0x44: {  	p6 =	sne.s32 s12, $0x1;
	p0 =	sne.s32 s21, $0x20;
	p3 =	sne.s32 s11, s17  }
0x45: {  	p5 =	por !p6, !p3;
	p6 =	seq.s32 s21, $0x1;
	s21 =	simm.s32 $0x1  }
0x46: {  	s21 =	simm.s32 @!p0 $0x0;
	p0 =	seq.s32 s31, $0x1  }
.Ltmp0:
0x47: {  	s30 =	sld [smem:$0x7FC];
	(pc) =	sbr.rel @p0 .LBB2_2-.Ltmp0, $4  }
0x48: {  	_ = 	snop  }
0x49: {  	p4 =	seq.s32 s12, $0x20  }
0x4a: {  	p1 =	por p2, p2;
	p2 =	por p4, p4;
	p4 =	seq.s32 s30, $0x1  }
0x4b: {  	p6 =	por p6, p4  }
0x4c: {  	_ =	strace @p6 $0x8000004C;
	s23 =	sshll.u32 @p6 s23, $0xA  }
0x4d: {  	s18 =	rddreg [dreg:$0x5];
	s23 =	sand.u32 @p6 $0x1FFFFC00, s23  }
0x4e: {  	s20 =	sadd.s32 @p6 $0x3, s20;
	s18 =	sadd.s32 @p6 s18, s23;
	s23 =	simm.s32 @p6 $0x0  }
0x4f: {  	[hbm4b:s18+s23] =	stream.linear.scatter @p6 [tilespmem:s22], [sflag:s20], $0x2000, $0x200038;
	[tilespmem:$0x4100] =	vst v63  }
0x50: {  	p0 =	por !p5, !p5;
	_ =	strace @p6 $0x9000004C  }
0x51: {  	s15 =	sadd.s32 @!p1 $0x3, s15;
	s17 =	sadd.s32 @p0 s4, s17;
	_ =	strace @!p1 $0x8000004D  }
0x52: {  	s14 =	sand.u32 @p0 $0x1, s14;
	s17 =	sshll.u32 @p0 s17, $0x4;
	_ =	swait.ge @!p1 [sflag:s15], $0x2000  }
0x53: {  	s18 =	simm.s32 $0x1;
	s20 =	sshll.u32 @p0 s14, $0x7;
	[sflag:s15] =	ssyncset.done @!p1 $0x0  }
0x54: {  	s14 =	sadd.s32 @p0 $0x1, s14;
	s18 =	simm.s32 @!p6 $0x0;
	[sflag:s15] =	ssyncadd.s32 @!p1 $0xFFFFE000  }
0x55: {  	s19 =	sadd.s32 s18, s19;
	s15 =	sand.u32 @p0 $0x1FFFFFF0, s17;
	_ =	strace @!p1 $0x9000004D  }
0x56: {  	s17 =	simm.s32 @p0 $0x0;
	s15 =	sadd.s32 @p0 s3, s15;
	_ =	strace @p0 $0x80000049  }
0x57: {  	[tilespmem:s20], [sflag:s14] =	stream.linear.gather @p0 [hbm4b:s15+s17], $0x80, $0x200038;
	[tilespmem:$0x4100] =	vst v63  }
0x58: {  	s25 =	sand.u32 $0x1, s19;
	_ =	strace @p0 $0x90000049  }
0x59: {  	s14 =	sadd.s32 $0x1, s25;
	_ =	strace $0x8000004A  }
0x5a: {  	_ =	swait.ge [sflag:s14], $0x80  }
0x5b: {  	[sflag:s14] =	ssyncset.done $0x0  }
0x5c: {  	[sflag:s14] =	ssyncadd.s32 $0xFFFFFF80  }
0x5d: {  	s26 =	sadd.s32 s18, s16;
	_ =	strace $0x9000004A  }
0x5e: {  	s14 =	sand.u32 $0x1, s26;
	_ =	strace $0x8000004B  }
0x5f: {  	s30 =	sshll.u32 s19, $0x7;
	s31 =	sshll.u32 s14, $0xD;
	s28 =	rddreg [dreg:$0x4]  }
0x60: {  	s17 =	sand.u32 $0x80, s30;
	s18 =	sor.u32 $0x100, s31;
	s29 =	rddreg [dreg:$0x3]  }
0x61: {  	[tilespmem:s18], [sflag:$0x5] =	stream.indirect.gather [hbm4b:s29+s28], $0x40, s17, s28, $0x2000b8;
	[tilespmem:$0x4100] =	vst v63  }
0x62: {  	_ =	swait.ge [sflag:s8], $0x2000  }
0x63: {  	[sflag:s8] =	ssyncset.done $0x0  }
0x64: {  	p5 =	por p3, p3;
	p6 =	seq.s32 s12, $0x1;
	[sflag:s8] =	ssyncadd.s32 $0xFFFFE000  }
0x65: {  	s11 =	sadd.s32 s4, s11;
	p0 =	por p6, p5;
	_ =	strace $0x9000004B  }
0x66: {  	s11 =	sshll.u32 @p0 s11, $0xA;
	_ =	strace @p0 $0x8000004C  }
0x67: {  	s13 =	sadd.s32 s21, s13;
	s11 =	sand.u32 @p0 $0x1FFFFC00, s11;
	s12 =	rddreg [dreg:$0x5]  }
0x68: {  	s14 =	sadd.s32 @p0 $0x3, s14;
	s11 =	sadd.s32 @p0 s12, s11;
	s12 =	simm.s32 @p0 $0x0  }
0x69: {  	[hbm4b:s11+s12] =	stream.linear.scatter @p0 [tilespmem:s18], [sflag:s14], $0x2000, $0x200038;
	[tilespmem:$0x4100] =	vst v63  }
0x6a: {  	p1 =	por p2, p2;
	s11 =	sand.u32 @!p2 $0x1, s13;
	_ =	strace @p0 $0x9000004C  }
0x6b: {  	s11 =	sadd.s32 @!p1 $0x3, s11;
	_ =	strace @!p1 $0x8000004D  }
0x6c: {  	_ =	swait.ge @!p1 [sflag:s11], $0x2000  }
0x6d: {  	[sflag:s11] =	ssyncset.done @!p1 $0x0  }
0x6e: {  	s10 =	sadd.s32 $0x1, s10;
	[sflag:s11] =	ssyncadd.s32 @!p1 $0xFFFFE000  }
0x6f: {  	p0 =	sne.s32 s10, s6;
	_ =	strace @!p1 $0x9000004D  }
.Ltmp1:
0x70: {  	_ =	strace $0x8000004E;
	(pc) =	sbr.rel @p0 .LBB2_1-.Ltmp1, $4  }
0x71: {  	_ =	swait.ge [sflag:s9], $0x2000  }
0x72: {  	[sflag:s9] =	ssyncset.done $0x0  }
0x73: {  	[sflag:s9] =	ssyncadd.s32 $0xFFFFE000  }
0x74: {  	_ =	strace $0x9000004E  }
0x75: {  	_ =	sfence.sel $0x180000  }
0x76: {  	[bflag:$0x0] =	sbarrier.arrive $0xFFFF  }
0x77: {  	p0 =	sne.s32 s2, $0x0;
	_ =	strace $0x90000047  }
0x78: {  	s0 =	sadd.s32 @!p0 $0x100000, s0;
	[bflag:$0x2] =	sbarrier.arrive $0xFFFF  }
0x79: {  	[sflag:s0] =	ssyncadd.tile.s32 @!p0 $0x1;
	_ =	shalt  }
.Lfunc_end2:
_tile_overlayer_lowered:
.L_overlay_start_2:
0x7a: {  	(tag) =	ssettag $0x2  }
0x7b: {  	s0 =	rddreg [dreg:$0x0];
	s2 =	stileid.u32  }
0x7c: {  	s1 =	rddreg [dreg:$0x1];
	p0 =	sne.s32 s2, $0x0  }
0x7d: {  	s3 =	rddreg [dreg:$0x2];
	[bflag:$0x3] =	sbarrier.arrive $0xFFFF;
	s2 =	simm.s32 @!p0 $0x1C01  }
0x7e: {  	[timem:s3], [sflag:s2] =	dma.local @!p0 [hbm:s0], s1  }
0x7f: {  	s0 =	simm.s32 @!p0 $0x1  }
0x80: {  	_ =	swait.ge @!p0 [sflag:s0], s1  }
0x81: {  	s1 =	ssub.s32 @!p0 $0x0, s1;
	[sflag:s0] =	ssyncset.done @!p0 $0x0  }
0x82: {  	[sflag:s0] =	ssyncadd.s32 @!p0 s1  }
0x83: {  	[bflag:$0x3] =	sbarrier.arrive $0xFFFF  }
0x84: {  	_ =	shalt  }

// kernel: sparse-core-data-format-call.cloned.1.call-start
scs
called_computation_lowered:
.L_overlay_start_0:
0x0: {  	s2 =	sld [smem:$0x3FD9]  }
0x1: {  	s3 =	sld [smem:$0x3FFE];
	_ =	sdelay $0x1  }
0x2: {  	s1 =	srdreg.scid  }
0x3: {  	s0 =	sand.u32 $0x1, s1  }
0x4: {  	s18 =	sshll.u32 s0, $0xA;
	s2 =	sadd.s32 s3, s2  }
0x5: {  	s2 =	sadd.s32 s2, s18  }
0x6: {  	[smem:$0x3FC5] =	sst s2  }
0x7: {  	_ = 	snop  }
0x8: {  	s2 =	sld [smem:$0x3FD0];
	(tm) =	ssettm $0x1  }
0x9: {  	s19 =	sld [smem:$0x3FFB];
	_ =	sdelay $0x3  }
0xa: {  	_ =	strace s19  }
0xb: {  	s3 =	sld [smem:$0x3FFC];
	_ =	sdelay $0x3  }
0xc: {  	_ =	strace s3  }
0xd: {  	s3 =	sld [smem:$0x3FFD];
	_ =	sdelay $0x3  }
0xe: {  	_ =	strace s3  }
0xf: {  	_ =	strace $0x8FFFFFFF  }
0x10: {  	s20 =	sld [smem:$0x3FDB];
	_ =	sdelay $0x1  }
0x11: {  	s4 =	simm.s32 $_scs_section_size  }
0x12: {  	s5 =	simm.s32 $_size__tile_overlayer_lowered;
	s6 =	simm.s32 $_tile_overlayer_lowered  }
0x13: {  	s23 =	simm.s32 $0x1BFF;
	s22 =	sshll.u32 s6, $0x1;
	s3 =	sadd.s32 s4, s20  }
0x14: {  	s7 =	simm.s32 $0x0;
	s21 =	sshll.u32 s5, $0x1;
	s5 =	sadd.s32 s22, s3  }
0x15: {  	[timem:s7], [sflag:s23] =	dma.local [hbm:s5], s21  }
0x16: {  	_ =	swait.ge [sflag:s23], s21  }
0x17: {  	s4 =	ssub.s32 $0x0, s21;
	[sflag:s23] =	ssyncset.done $0x0  }
0x18: {  	[sflag:s23] =	ssyncadd.s32 s4;
	_ =	sdelay $0x1  }
0x19: {  	s24 =	simm.s32 $0x1B8B  }
0x1a: {  	_ =	swait.ge [sflag:s24], $0x1  }
0x1b: {  	[sflag:s24] =	ssyncset.done $0x0  }
0x1c: {  	s26 =	simm.s32 $0x1B8E;
	s25 =	sld [smem:$0x3FFE];
	[sflag:s24] =	ssyncadd.s32 $0xFFFFFFFF  }
0x1d: {  	s27 =	simm.s32 $execute0_lowered;
	[smem:$0x3FD2] =	sst s26  }
0x1e: {  	s5 =	sshll.u32 s27, $0x1;
	_ =	strace $0x80000050;
	[dreg:$0x1] =	wrdreg $0xFFFFFFFF  }
0x1f: {  	s28 =	simm.s32 $_size_execute0_lowered;
	s3 =	sadd.s32 s3, s5;
	[dreg:$0x0] =	wrdreg $0x0  }
0x20: {  	s5 =	sshll.u32 s28, $0x1;
	[dreg:$0x2] =	wrdreg s3  }
0x21: {  	[dreg:$0x3] =	wrdreg s5  }
0x22: {  	[dreg:$0x4] =	wrdreg $0xC0  }
0x23: {  	_ =	task [dreg:s7], $0x5FFFF  }
0x24: {  	[dreg:$0x1] =	wrdreg $0xFFFFFFFF  }
0x25: {  	[dreg:$0x0] =	wrdreg $0x60  }
0x26: {  	[dreg:$0x2] =	wrdreg s25  }
0x27: {  	[dreg:$0x3] =	wrdreg s2  }
0x28: {  	[dreg:$0x4] =	wrdreg $0x9  }
0x29: {  	_ =	task.clear_ibuf [dreg:s7], $0x5FFFF;
	_ =	strace $0x90000050  }
0x2a: {  	s29 =	simm.s32 $0x9;
	_ =	strace $0x80000052  }
0x2b: {  	_ =	swait.ge [sflag:s29], $0x1  }
0x2c: {  	[sflag:s29] =	ssyncadd.s32 $0xFFFFFFFF  }
0x2d: {  	_ =	strace $0x90000052  }
0x2e: {  	_ =	sfence  }
0x2f: {  	s30 =	sld [smem:$0x0];
	_ =	sdelay $0x2  }
0x30: {  	s31 =	sshll.u32 s1, $0xD;
	s1 =	sshrl.u32 s1, $0x2  }
0x31: {  	s3 =	sand.u32 $0x4000, s31;
	s1 =	sadd.s32 s1, s30  }
0x32: {  	s0 =	sor.u32 s3, s0;
	s1 =	sshll.u32 s1, $0x11  }
0x33: {  	s0 =	sor.u32 s1, s0  }
0x34: {  	s0 =	sadd.s32 $0x8F2B, s0  }
0x35: {  	[sflag:s0] =	ssyncadd.remote.s32 $0x1  }
0x36: {  	_ =	sfence.sel $0xFFFF  }
0x37: {  	[dreg:$0x0] =	wrdreg $0xFFFFFFFF;
	(pc) =	sbr.abs _section_cstart, $3  }
0x38: {  	[dreg:$0x1] =	wrdreg $0xFFFFFFFF  }
0x39: {  	_ =	task.clear_ibuf [dreg:s7], $0x2FFFF;
	_ =	strace $0x9FFFFFFF  }
0x3a: {  	(tm) =	ssettm $0x7FFFFFFF  }
0x3b: {  	_ =	shalt  }
tec
execute0_lowered:
.L_overlay_start_1:
0x0: {  	(tag) =	ssettag $0x1  }
0x1: {  	s0 =	stileid.u32;
	s4 =	rddreg [dreg:$0x0]  }
0x2: {  	s1 =	srdreg.scid;
	s3 =	rddreg [dreg:$0x1];
	s7 =	simm.s32 $0x1  }
0x3: {  	s31 =	simm.s32 $0x2;
	s17 =	simm.s32 $0x0;
	s9 =	simm.s32 $0x8000  }
0x4: {  	s18 =	simm.s32 $0x0;
	s2 =	sshll.u32 s0, $0x5;
	s1 =	sshll.u32 s1, $0x9  }
0x5: {  	s19 =	simm.s32 $0x0;
	s10 =	simm.s32 $0x0;
	s1 =	sor.u32 s2, s1  }
0x6: {  	s11 =	simm.s32 $0x0;
	s12 =	simm.s32 $0x0;
	s2 =	sand.u32 $0x380, s1  }
0x7: {  	s13 =	simm.s32 $0x0;
	s16 =	simm.s32 $0x0;
	s5 =	ssub.s32 $0x400, s2  }
0x8: {  	s4 =	sadd.s32 $0xE00, s4;
	s1 =	rddreg [dreg:$0x2];
	s6 =	sand.u32 $0x380, s5  }
.Ltmp0:
0x9: {  	_ =	strace $0x80000051;
	p0 =	sne.s32 s6, $0x0;
	(pc) =	sbr.rel .LBB1_1-.Ltmp0, $4  }
0xa: {  	s14 =	smov.u32 s2;
	s8 =	sshrl.u32 s5, $0xA;
	s7 =	simm.s32 @!p0 $0x0  }
0xb: {  	s5 =	sand.u32 $0x3, s0;
	s6 =	simm.s32 $0x1;
	s7 =	sadd.s32 s7, s8  }
0xc: {  	s15 =	smov.u32 s5;
	[sflag:s6] =	ssyncpa.u1 $0x0;
	s7 =	sshll.u32 s7, $0x5  }
0xd: {  	p0 =	por $0x0, $0x0;
	[sflag:s31] =	ssyncpa.u1 $0x0;
	s8 =	sor.u32 $0x1, s7  }
.LBB1_4:
0xe: {  	s24 =	sshra.s32 s24, $0x2  }
0xf: {  	s25 =	sshll.u32 s10, $0xA;
	p1 =	sgt.s32 s12, $0x3;
	s26 =	smov.u32 s12  }
0x10: {  	s27 =	sshra.s32 s12, $0x1F;
	s28 =	sshll.u32 s11, $0x3;
	p2 =	sgt.s32 s11, $0x380  }
0x11: {  	s31 =	sshra.s32 s11, $0x1F;
	s26 =	simm.s32 @!p1 $0x3;
	s27 =	sand.u32 s27, s12  }
0x12: {  	s25 =	sand.u32 $0x6000, s25;
	s28 =	sand.u32 $0x7C00, s28;
	s23 =	sadd.s32 s24, s23  }
0x13: {  	s26 =	ssub.s32 s26, s27;
	s24 =	sadd.s32 s28, s25;
	s28 =	smov.u32 s10  }
0x14: {  	s27 =	sand.u32 s31, s11;
	s29 =	sadd.s32 $0xFFFFFFFD, s26;
	s30 =	ssub.s32 $0x4, s26  }
0x15: {  	v5 =	vld [tilespmem:s21+$0xFFFFFFD0];
	[tilespmem:s22+$0x2040 ss:$0x81] =	vst.msk $0xffff, v4;
	s26 =	smov.u32 s11;
	s24 =	sshrl.u32 s24, $0x3;
	p1 =	sgt.s32 s29, $0x0  }
0x16: {  	v58 =	vld [tilespmem:s21+$0xFFFFFFE0];
	[tilespmem:s22+$0x2850 ss:$0x81] =	vst.msk $0xffff, v3;
	s25 =	smul.u32 $0x43, s30;
	s26 =	simm.s32 @!p2 $0x380;
	p2 =	sgt.s32 s10, $0x1F  }
0x17: {  	v59 =	vld [tilespmem:s21+$0xFFFFFFF0];
	[tilespmem:s22+$0x3060 ss:$0x81] =	vst.msk $0xffff, v2;
	s29 =	sshra.s32 s10, $0x1F;
	s26 =	ssub.s32 s26, s27;
	s28 =	simm.s32 @!p2 $0x1F  }
0x18: {  	[tilespmem:s22+$0x0 ss:$0x81] =	vst.msk $0xffff, v1;
	v60 =	vld [tilespmem:s21+$0x0];
	s30 =	sand.u32 s29, s10;
	s29 =	sand.u32 $0x78, s11;
	s25 =	simm.s32 @p1 $0x0  }
0x19: {  	v61 =	vld [tilespmem:s21+$0x10];
	[tilespmem:s23+$0x3870 ss:$0x81] =	vst.msk $0xffff, v0;
	s22 =	ssub.s32 s28, s30;
	s31 =	sadd.s32 $0xFFFFFC80, s26;
	s26 =	ssub.s32 $0x400, s26  }
0x1a: {  	v62 =	vld [tilespmem:s21+$0x20];
	[tilespmem:s23+$0x810 ss:$0x81] =	vst.msk $0xffff, v5;
	s30 =	sshll.u32 s10, $0x7;
	p1 =	sgt.s32 s31, $0x7F;
	s28 =	sadd.s32 $0xFFFFFFE1, s22  }
0x1b: {  	v63 =	vld [tilespmem:s21+$0xFFFFFFC0];
	[tilespmem:s23+$0x1020 ss:$0x81] =	vst.msk $0xffff, v58;
	s22 =	ssub.s32 $0x20, s22;
	s31 =	smul.u32 $0x43000, s12;
	s26 =	simm.s32 @p1 $0x0  }
0x1c: {  	[tilespmem:s23+$0x1830 ss:$0x81] =	vst.msk $0xffff, v59;
	s21 =	sand.u32 $0x380, s30;
	p1 =	sgt.s32 s28, $0x0;
	s25 =	smul.u32 s25, s26  }
0x1d: {  	[tilespmem:s23+$0x2040 ss:$0x81] =	vst.msk $0xffff, v60;
	s21 =	sor.u32 s29, s21;
	s29 =	sand.u32 $0x7, s11;
	s22 =	simm.s32 @p1 $0x0  }
0x1e: {  	[tilespmem:s23+$0x2850 ss:$0x81] =	vst.msk $0xffff, v61;
	s21 =	sshrl.u32 s21, $0x3;
	s28 =	sadd.s32 s3, s31;
	s22 =	smul.u32 s22, s25  }
0x1f: {  	s24 =	sand.u32 $0xF80, s24;
	[tilespmem:s23+$0x3060 ss:$0x81] =	vst.msk $0xffff, v62;
	s30 =	sshll.u32 s29, $0x12;
	s21 =	sadd.s32 s21, s28  }
0x20: {  	[tilespmem:s23+$0x0 ss:$0x81] =	vst.msk $0xffff, v63;
	s31 =	sor.u32 $0x80, s30;
	s21 =	sadd.s32 s24, s21;
	s22 =	sand.u32 $0x3FFFFFFF, s22  }
0x21: {  	[hbm4b:s21+s31] =	stream.strided.scatter [tilespmem:s20], [sflag:$0x2], s22, s9, s31, $0x20;
	[tilespmem:$0x10100] =	vst v63  }
.LBB1_5:
0x22: {  	p1 =	slt.u32 s16, $0x2  }
0x23: {  	p2 =	sgt.s32 @!p1 s19, $0x3  }
0x24: {  	s20 =	smov.u32 s19;
	s21 =	sshra.s32 @!p1 s19, $0x1F;
	p2 =	por !p2, p1  }
0x25: {  	p3 =	sgt.s32 @!p1 s18, $0x380;
	s19 =	sand.u32 @!p1 s21, s19;
	s20 =	simm.s32 @p2 $0x3  }
0x26: {  	p3 =	por !p3, p1;
	s19 =	ssub.s32 @!p1 s20, s19  }
0x27: {  	s21 =	sshra.s32 @!p1 s18, $0x1F;
	s20 =	sadd.s32 @!p1 $0xFFFFFFFD, s19;
	s19 =	ssub.s32 @!p1 $0x4, s19  }
0x28: {  	p2 =	sgt.s32 @!p1 s20, $0x0;
	s19 =	smul.u32 @!p1 $0x43, s19;
	s20 =	smov.u32 s18  }
0x29: {  	s18 =	sand.u32 @!p1 s21, s18;
	s20 =	simm.s32 @p3 $0x380;
	p3 =	sgt.s32 @!p1 s17, $0x1F  }
0x2a: {  	s21 =	smov.u32 s17;
	p2 =	por !p2, p1;
	p3 =	por !p3, p1  }
0x2b: {  	s18 =	ssub.s32 @!p1 s20, s18;
	s20 =	sshra.s32 @!p1 s17, $0x1F;
	s19 =	simm.s32 @!p2 $0x0  }
0x2c: {  	s21 =	simm.s32 @p3 $0x1F;
	s17 =	sand.u32 @!p1 s20, s17;
	s20 =	sadd.s32 @!p1 $0xFFFFFC80, s18  }
0x2d: {  	s18 =	ssub.s32 @!p1 $0x400, s18;
	s17 =	ssub.s32 @!p1 s21, s17;
	p2 =	sgt.s32 @!p1 s20, $0x7F  }
0x2e: {  	s21 =	smov.u32 s14;
	s20 =	sadd.s32 @!p1 $0xFFFFFFE1, s17;
	p2 =	por !p2, p1  }
0x2f: {  	s17 =	ssub.s32 @!p1 $0x20, s17;
	p3 =	sgt.s32 @!p1 s20, $0x0;
	s18 =	simm.s32 @!p2 $0x0  }
0x30: {  	s20 =	sadd.s32 $0x1, s13;
	p2 =	por !p3, p1;
	s18 =	smul.u32 @!p1 s19, s18  }
0x31: {  	s19 =	sadd.s32 $0x400, s14;
	s17 =	simm.s32 @!p2 $0x0;
	p2 =	sgt.s32 s20, $0x1F  }
0x32: {  	s22 =	smov.u32 s15;
	s21 =	smov.u32 @p2 s19  }
0x33: {  	s17 =	smul.u32 @!p1 s17, s18;
	s18 =	sadd.s32 $0x4, s15;
	p3 =	sgt.s32 s21, $0x3FF  }
0x34: {  	p0 =	por !p0, !p0;
	s23 =	simm.s32 @!p1 $0x2;
	s22 =	smov.u32 @p3 s18  }
0x35: {  	s20 =	simm.s32 @p2 $0x0;
	s19 =	smov.u32 s12;
	p2 =	sgt.s32 s22, $0x3  }
0x36: {  	s12 =	smov.u32 s15;
	s22 =	smov.u32 @p2 s5;
	p2 =	sne.s32 s16, s8  }
.Ltmp1:
0x37: {  	s17 =	sand.u32 @!p1 $0x3FFFFFFF, s17;
	s21 =	smov.u32 @p3 s2;
	(pc) =	sbr.rel @!p2 .LBB1_6-.Ltmp1, $4  }
0x38: {  	s18 =	smov.u32 s11;
	s11 =	smov.u32 s14;
	_ =	swait.ge @!p1 [sflag:s23], s17  }
0x39: {  	s24 =	ssub.s32 @!p1 $0x0, s17;
	s17 =	smov.u32 s10;
	s10 =	smov.u32 s13  }
0x3a: {  	s13 =	smov.u32 s20;
	s14 =	smov.u32 s21;
	[sflag:s23] =	ssyncset.done @!p1 $0x0  }
0x3b: {  	s16 =	sadd.s32 $0x1, s16;
	[sflag:s23] =	ssyncadd.s32 @!p1 s24;
	s15 =	smov.u32 s22  }
.LBB1_1:
0x3c: {  	p1 =	sge.u32 s16, s7;
	s31 =	sadd.s32 $0xFFFFFFFF, s16  }
0x3d: {  	s20 =	sxor.u32 @!p1 $0xFFFFFFFF, s16;
	s21 =	sshll.u32 @!p1 s15, $0x13;
	s22 =	sshll.u32 @!p1 s14, $0x9  }
0x3e: {  	s23 =	sshll.u32 @!p1 s13, $0x4;
	s20 =	sshll.u32 @!p1 s20, $0xE;
	s21 =	sadd.s32 @!p1 s4, s21  }
0x3f: {  	s23 =	sand.u32 @!p1 $0x1F0, s23;
	s20 =	sand.u32 @!p1 $0x4000, s20;
	s21 =	sadd.s32 @!p1 s22, s21  }
0x40: {  	s22 =	simm.s32 @!p1 $0x80;
	s21 =	sadd.s32 @!p1 s23, s21;
	s23 =	simm.s32 @!p1 $0x1000  }
0x41: {  	[tilespmem:s20], [sflag:$0x1] =	stream.strided.gather @!p1 [hbm4b:s21+s22], $0x4000, s23, s22, $0x38;
	[tilespmem:$0x10100] =	vst v63  }
0x42: {  	p1 =	sge.u32 s31, s7  }
.Ltmp2:
0x43: {  	_ = 	snop;
	(pc) =	sbr.rel @p1 .LBB1_5-.Ltmp2, $1  }
0x44: {  	_ =	sdelay $0x3  }
0x45: {  	s20 =	simm.s32 $0x1  }
0x46: {  	_ =	swait.ge [sflag:s6], $0x4000;
	s20 =	simm.s32 @!p0 $0x0  }
0x47: {  	[sflag:s6] =	ssyncset.done $0x0;
	s21 =	sshll.u32 s20, $0xE  }
0x48: {  	[sflag:s6] =	ssyncadd.s32 $0xFFFFC000;
	s21 =	sor.u32 $0x40, s21  }
0x49: {  	s20 =	smul.u32 $0x10200, s20;
	v0 =	vld [tilespmem:s21+$0x30]  }
0x4a: {  	v1 =	vld [tilespmem:s21+$0xFFFFFFD0]  }
0x4b: {  	s20 =	sshrl.u32 s20, $0x2;
	v5 =	vld [tilespmem:s21+$0xFFFFFFE0]  }
0x4c: {  	v6 =	vld [tilespmem:s21+$0xFFFFFFF0];
	s23 =	sor.u32 $0x8000, s20  }
0x4d: {  	s31 =	sand.u32 $0x1, s16;
	v4 =	vld [tilespmem:s21+$0x0];
	s22 =	sadd.s32 $0x0, s23  }
0x4e: {  	v3 =	vld [tilespmem:s21+$0x10];
	s20 =	smul.u32 $0x10200, s31;
	[tilespmem:s22+$0x3870 ss:$0x81] =	vst.msk $0xffff, v0  }
0x4f: {  	v2 =	vld [tilespmem:s21+$0x20];
	[tilespmem:s22+$0x810 ss:$0x81] =	vst.msk $0xffff, v1  }
0x50: {  	s20 =	sshrl.u32 s20, $0x2;
	v1 =	vld [tilespmem:s21+$0xFFFFFFC0];
	[tilespmem:s22+$0x1020 ss:$0x81] =	vst.msk $0xffff, v5;
	s21 =	sadd.s32 $0x80, s21  }
0x51: {  	s24 =	simm.s32 $0x4;
	s25 =	simm.s32 $0x8;
	s20 =	sor.u32 $0x8000, s20;
	[tilespmem:s22+$0x1830 ss:$0x81] =	vst.msk $0xffff, v6;
	v0 =	vld [tilespmem:s21+$0x30]  }
.LBB1_3:
0x52: {  	p1 =	sne.s32 s25, $0x1FC;
	v5 =	vld [tilespmem:s21+$0xFFFFFFD0];
	[tilespmem:s22+$0x2040 ss:$0x81] =	vst.msk $0xffff, v4  }
0x53: {  	v6 =	vld [tilespmem:s21+$0xFFFFFFE0];
	[tilespmem:s22+$0x2850 ss:$0x81] =	vst.msk $0xffff, v3  }
0x54: {  	s26 =	sshra.s32 s24, $0x2;
	s24 =	smov.u32 s25;
	v7 =	vld [tilespmem:s21+$0xFFFFFFF0];
	[tilespmem:s22+$0x3060 ss:$0x81] =	vst.msk $0xffff, v2  }
.Ltmp3:
0x55: {  	v4 =	vld [tilespmem:s21+$0x0];
	[tilespmem:s22+$0x0 ss:$0x81] =	vst.msk $0xffff, v1;
	s22 =	sadd.s32 s26, s23;
	(pc) =	sbr.rel @p1 .LBB1_3-.Ltmp3, $4  }
0x56: {  	v3 =	vld [tilespmem:s21+$0x10];
	[tilespmem:s22+$0x3870 ss:$0x81] =	vst.msk $0xffff, v0  }
0x57: {  	[tilespmem:s22+$0x810 ss:$0x81] =	vst.msk $0xffff, v5;
	v2 =	vld [tilespmem:s21+$0x20]  }
0x58: {  	v1 =	vld [tilespmem:s21+$0xFFFFFFC0];
	[tilespmem:s22+$0x1020 ss:$0x81] =	vst.msk $0xffff, v6;
	s21 =	sadd.s32 $0x80, s21  }
0x59: {  	s25 =	sadd.s32 $0x4, s25;
	v0 =	vld [tilespmem:s21+$0x30];
	[tilespmem:s22+$0x1830 ss:$0x81] =	vst.msk $0xffff, v7  }
.Ltmp4:
0x5a: {  	_ = 	snop;
	(pc) =	sbr.rel .LBB1_4-.Ltmp4, $1  }
0x5b: {  	_ =	sdelay $0x3  }
.LBB1_6:
0x5c: {  	_ =	sfence.sel $0x180000  }
0x5d: {  	s2 =	simm.s32 $0x1;
	[bflag:$0x0] =	sbarrier.arrive $0xFFFF  }
0x5e: {  	s31 =	simm.s32 $0x2;
	[sflag:s2] =	ssyncpa.u1 $0x1  }
0x5f: {  	[sflag:s31] =	ssyncpa.u1 $0x1  }
0x60: {  	p0 =	sne.s32 s0, $0x0;
	_ =	strace $0x90000051  }
0x61: {  	s0 =	sadd.s32 @!p0 $0x100000, s1;
	[bflag:$0x2] =	sbarrier.arrive $0xFFFF  }
0x62: {  	[sflag:s0] =	ssyncadd.tile.s32 @!p0 $0x1;
	_ =	shalt  }
.Lfunc_end1:
_tile_overlayer_lowered:
.L_overlay_start_2:
0x63: {  	(tag) =	ssettag $0x2  }
0x64: {  	s0 =	rddreg [dreg:$0x0];
	s2 =	stileid.u32  }
0x65: {  	s1 =	rddreg [dreg:$0x1];
	p0 =	sne.s32 s2, $0x0  }
0x66: {  	s3 =	rddreg [dreg:$0x2];
	[bflag:$0x3] =	sbarrier.arrive $0xFFFF;
	s2 =	simm.s32 @!p0 $0x1C01  }
0x67: {  	[timem:s3], [sflag:s2] =	dma.local @!p0 [hbm:s0], s1  }
0x68: {  	s0 =	simm.s32 @!p0 $0x1  }
0x69: {  	_ =	swait.ge @!p0 [sflag:s0], s1  }
0x6a: {  	s1 =	ssub.s32 @!p0 $0x0, s1;
	[sflag:s0] =	ssyncset.done @!p0 $0x0  }
0x6b: {  	[sflag:s0] =	ssyncadd.s32 @!p0 s1  }
0x6c: {  	[bflag:$0x3] =	sbarrier.arrive $0xFFFF  }
0x6d: {  	_ =	shalt  }

</sc_bundles>
